<compile_context>
chip_gen: v7x
topology: tpu7x:2x2x1
jax: 0.10.2.dev20260603
libtpu: 0.0.44.dev20260713+nightly
codegen_flags: <defaults>
</compile_context>

<pallas_src>
import functools

import jax
import jax.numpy as jnp
from jax import lax
from jax.experimental import pallas as pl
from jax.experimental.pallas import tpu as pltpu
from jax.experimental.pallas import tpu_sc as plsc

_B = 256
_T = 50
_H = 64
_EMB = 32
_K = 20
_KP1 = 21
_NW = 32
_CBLK = 2048
_INF = float("inf")
_BIGI = 0x7FFFFFFF



def _sc_row_gather(t1, i1, t2, i2):
    tot = i1.shape[0]
    n = tot // _NW
    mesh = plsc.VectorSubcoreMesh(core_axis_name="c", subcore_axis_name="s")

    @functools.partial(
        pl.kernel, mesh=mesh,
        out_type=[jax.ShapeDtypeStruct((tot, 128), jnp.float32),
                  jax.ShapeDtypeStruct((tot, 128), jnp.float32)],
        scratch_types=[pltpu.VMEM((n,), jnp.int32),
                       pltpu.VMEM((n, 128), jnp.float32),
                       pltpu.SemaphoreType.DMA],
    )
    def k(t1h, i1h, t2h, i2h, o1, o2, idx_v, rows_v, sem):
        wid = lax.axis_index("s") * 2 + lax.axis_index("c")
        base = wid * n
        for th, ih, oh in ((t1h, i1h, o1), (t2h, i2h, o2)):
            pltpu.sync_copy(ih.at[pl.ds(base, n)], idx_v)
            pltpu.async_copy(th.at[idx_v], rows_v, sem).wait()
            pltpu.sync_copy(rows_v, oh.at[pl.ds(base, n)])

    return k(t1, i1, t2, i2)





def _topk_body(qrows_ref, qmod_ref, e_ref, y_ref, bv_ref, ys_ref,
               v_ref, *, size, nblk):
    j = pl.program_id(0)

    @pl.when(j == 0)
    def _init():
        bv_ref[...] = jnp.full((_B, _KP1), _INF, jnp.float32)
        ys_ref[...] = jnp.zeros((_B, _KP1), jnp.float32)

    qmod = qmod_ref[...]
    q = jnp.zeros((_B, _EMB), jnp.float32)
    for kq in range(4):
        q = q + jnp.where(qmod == kq,
                          qrows_ref[:, kq * _EMB:(kq + 1) * _EMB], 0.0)
    e = e_ref[...]
    qq = jnp.sum(q * q, axis=1, keepdims=True)
    qr = q.astype(jnp.bfloat16).astype(jnp.float32)
    er = e.astype(jnp.bfloat16).astype(jnp.float32)
    sc = lax.dot_general(qr, er, (((1,), (1,)), ((), ())),
                         preferred_element_type=jnp.float32)
    e2 = e * e
    h1 = e2.astype(jnp.bfloat16).astype(jnp.float32)
    r1 = e2 - h1
    h2 = r1.astype(jnp.bfloat16).astype(jnp.float32)
    h3 = (r1 - h2).astype(jnp.bfloat16).astype(jnp.float32)
    ea = jnp.concatenate([h1, h2, h3], axis=1)
    ee = lax.dot_general(jnp.ones((1, 3 * _EMB), jnp.float32), ea,
                         (((1,), (1,)), ((), ())),
                         preferred_element_type=jnp.float32)
    col = jax.lax.broadcasted_iota(jnp.int32, (_B, _CBLK), 1) + j * _CBLK
    d2 = (qq + ee) - 2.0 * sc
    d2 = jnp.where(col < size, d2, _INF)
    v_ref[...] = d2

    t = jnp.max(bv_ref[...], axis=1, keepdims=True)
    cnt = jnp.max(jnp.sum((d2 < t).astype(jnp.int32), axis=1, keepdims=True))
    nit = jnp.minimum(cnt, _KP1)

    lane = jax.lax.broadcasted_iota(jnp.int32, (_B, _KP1), 1)

    def body(_, carry):
        v = v_ref[...]
        m = jnp.min(v, axis=1, keepdims=True)
        cidx = jnp.min(jnp.where(v == m, col, _BIGI), axis=1, keepdims=True)
        hit = col == cidx
        v_ref[...] = jnp.where(hit, _INF, v)
        yval = jnp.sum(jnp.where(hit, y_ref[...], 0.0), axis=1, keepdims=True)
        bv = bv_ref[...]
        tc = jnp.max(bv, axis=1, keepdims=True)
        slot = jnp.min(jnp.where(bv == tc, lane, _BIGI), axis=1, keepdims=True)
        put = (lane == slot) & (m < tc)
        bv_ref[...] = jnp.where(put, m, bv)
        ys_ref[...] = jnp.where(put, yval, ys_ref[...])
        return carry

    lax.fori_loop(0, nit, body, 0)


def _topk(qrows, qmod, emb, y_ctx):
    size = emb.shape[0]
    nblk = pl.cdiv(size, _CBLK)
    return pl.pallas_call(
        functools.partial(_topk_body, size=size, nblk=nblk),
        grid=(nblk,),
        in_specs=[pl.BlockSpec((_B, 128), lambda j: (0, 0)),
                  pl.BlockSpec((_B, 1), lambda j: (0, 0)),
                  pl.BlockSpec((_CBLK, _EMB), lambda j: (j, 0)),
                  pl.BlockSpec((_B, _CBLK), lambda j: (0, j))],
        out_specs=[pl.BlockSpec((_B, _KP1), lambda j: (0, 0)),
                   pl.BlockSpec((_B, _KP1), lambda j: (0, 0))],
        out_shape=[jax.ShapeDtypeStruct((_B, _KP1), jnp.float32),
                   jax.ShapeDtypeStruct((_B, _KP1), jnp.float32)],
        scratch_shapes=[pltpu.VMEM((_B, _CBLK), jnp.float32)],
        compiler_params=pltpu.CompilerParams(
            dimension_semantics=("arbitrary",)),
    )(qrows, qmod, emb, y_ctx)



def _gru_body(xl_ref, xr_ref,
              wi0l, wh0l, bi0l, bh0l, wi1l, wh1l, bi1l, bh1l,
              wi0r, wh0r, bi0r, bh0r, wi1r, wh1r, bi1r, bh1r,
              wmean, bmean, wstd, bstd, ytr_ref,
              mean_o, std_o, err1_o):

    def gru_side(x_ref, wi0, wh0, bi0, bh0, wi1, wh1, bi1, bh1):
        wi0v, wh0v, bi0v, bh0v = wi0[...], wh0[...], bi0[...], bh0[...]
        wi1v, wh1v, bi1v, bh1v = wi1[...], wh1[...], bi1[...], bh1[...]

        def cell(gx, gh, h):
            r = jax.nn.sigmoid(gx[0:_H] + gh[0:_H])
            z = jax.nn.sigmoid(gx[_H:2 * _H] + gh[_H:2 * _H])
            n = jnp.tanh(gx[2 * _H:] + r * gh[2 * _H:])
            return (1.0 - z) * n + z * h

        def step(tstep, carry):
            h0, h1 = carry
            xt = x_ref[pl.ds(tstep, 1), :]
            gx0 = wi0v * xt + bi0v
            gh0 = lax.dot_general(wh0v, h0, (((1,), (0,)), ((), ())),
                                  preferred_element_type=jnp.float32) + bh0v
            h0n = cell(gx0, gh0, h0)
            gx1 = lax.dot_general(wi1v, h0n, (((1,), (0,)), ((), ())),
                                  preferred_element_type=jnp.float32) + bi1v
            gh1 = lax.dot_general(wh1v, h1, (((1,), (0,)), ((), ())),
                                  preferred_element_type=jnp.float32) + bh1v
            h1n = cell(gx1, gh1, h1)
            return (h0n, h1n)

        z0 = jnp.zeros((_H, _B), jnp.float32)
        _, h1 = lax.fori_loop(0, _T, step, (z0, z0))
        return h1

    hl = gru_side(xl_ref, wi0l, wh0l, bi0l, bh0l, wi1l, wh1l, bi1l, bh1l)
    hr = gru_side(xr_ref, wi0r, wh0r, bi0r, bh0r, wi1r, wh1r, bi1r, bh1r)
    temp = jnp.concatenate([hl, hr], axis=0)
    mean_ts = jnp.sum(wmean[...] * temp, axis=0, keepdims=True) + bmean[0, 0]
    std_ts = jnp.sum(wstd[...] * temp, axis=0, keepdims=True) + bstd[0, 0]
    mean_o[...] = mean_ts
    std_o[...] = std_ts
    yv = ytr_ref[...]
    e1 = (yv - mean_ts) ** 2 / jnp.exp(std_ts) + std_ts
    err1_o[...] = jnp.sum(e1, axis=1, keepdims=True) / _B


def _gru_call(xl, xr, wp, ytr):
    args = [xl, xr] + wp + [ytr]
    return pl.pallas_call(
        _gru_body,
        out_shape=[jax.ShapeDtypeStruct((1, _B), jnp.float32),
                   jax.ShapeDtypeStruct((1, _B), jnp.float32),
                   jax.ShapeDtypeStruct((1, 1), jnp.float32)],
    )(*args)



def _head_body(bv1_ref, s1_ref, bv2_ref, s2_ref, mts_ref, sts_ref, yc_ref,
               w1_ref, b1_ref, wmo_ref, bmo_ref, wso_ref, bso_ref,
               err2_o, meano_o):

    lane = jax.lax.broadcasted_iota(jnp.int32, (_B, _KP1), 1)

    def side_feats(bv, ysel):
        m = jnp.min(bv, axis=1, keepdims=True)
        sslot = jnp.min(jnp.where(bv == m, lane, _BIGI), axis=1, keepdims=True)
        keep = lane != sslot
        w = jnp.exp(-jnp.sqrt(jnp.maximum(bv, 0.0)))
        wk = jnp.where(keep, w, 0.0)
        sk = jnp.where(keep, ysel, 0.0)
        ws = jnp.sum(wk, axis=1, keepdims=True)
        wm = jnp.sum(sk * wk, axis=1, keepdims=True) / ws
        mean_s = jnp.sum(sk, axis=1, keepdims=True) / _K
        var = jnp.sum(jnp.where(keep, (ysel - mean_s) ** 2, 0.0),
                      axis=1, keepdims=True) / (_K - 1)
        return wm, ws, jnp.sqrt(var)

    wm1, ws1, st1 = side_feats(bv1_ref[...], s1_ref[...])
    wm2, ws2, st2 = side_feats(bv2_ref[...], s2_ref[...])
    mts = mts_ref[...]
    sts = sts_ref[...]
    feats = jnp.concatenate([wm1, ws1, st1, wm2, ws2, st2, mts, sts], axis=1)
    h = lax.dot_general(feats, w1_ref[...], (((1,), (1,)), ((), ())),
                        preferred_element_type=jnp.float32) + b1_ref[...]
    h = jnp.maximum(h, 0.0)
    mean_o = jnp.sum(h * wmo_ref[...], axis=1, keepdims=True) + bmo_ref[0, 0]
    std_o = jnp.sum(h * wso_ref[...], axis=1, keepdims=True) + bso_ref[0, 0]
    yc = yc_ref[...]
    e2 = (yc - mean_o) ** 2 / jnp.exp(std_o) + std_o
    err2_o[...] = jnp.sum(e2, axis=0, keepdims=True) / _B
    meano_o[...] = mean_o


def _head_call(bv1, s1, bv2, s2, mts, sts, ycol, w1, b1, wmo, bmo, wso, bso):
    args = [bv1, s1, bv2, s2, mts, sts, ycol, w1, b1, wmo, bmo, wso, bso]
    return pl.pallas_call(
        _head_body,
        out_shape=[jax.ShapeDtypeStruct((1, 1), jnp.float32),
                   jax.ShapeDtypeStruct((_B, 1), jnp.float32)],
    )(*args)



def kernel(params, x_left, x_right, y, index1, index2, y1_context, y2_context):
    p = params
    size1 = p['emb1'].shape[0]
    size2 = p['emb2'].shape[0]

    i1 = index1.astype(jnp.int32)
    i2 = index2.astype(jnp.int32)
    qrows1, qrows2 = _sc_row_gather(p['emb1'].reshape(-1, 128), i1 >> 2,
                                    p['emb2'].reshape(-1, 128), i2 >> 2)
    qmod1 = (i1 & 3).reshape(_B, 1)
    qmod2 = (i2 & 3).reshape(_B, 1)

    bv1, s1 = _topk(qrows1, qmod1, p['emb1'], y1_context)
    bv2, s2 = _topk(qrows2, qmod2, p['emb2'], y2_context)

    def side_w(side):
        return [p['W_ih_%s0' % side], p['W_hh_%s0' % side],
                p['b_ih_%s0' % side].reshape(3 * _H, 1),
                p['b_hh_%s0' % side].reshape(3 * _H, 1),
                p['W_ih_%s1' % side], p['W_hh_%s1' % side],
                p['b_ih_%s1' % side].reshape(3 * _H, 1),
                p['b_hh_%s1' % side].reshape(3 * _H, 1)]

    wp = (side_w('left') + side_w('right') +
          [p['W_mean'].reshape(2 * _H, 1), p['b_mean'].reshape(1, 1),
           p['W_std'].reshape(2 * _H, 1), p['b_std'].reshape(1, 1)])
    ytr = y.reshape(1, _B)
    mts_tr, sts_tr, err1 = _gru_call(x_left.T, x_right.T, wp, ytr)

    err2, mean_o = _head_call(
        bv1, s1, bv2, s2,
        mts_tr.reshape(_B, 1), sts_tr.reshape(_B, 1), y.reshape(_B, 1),
        p['W_out1'], p['b_out1'].reshape(1, _H),
        p['W_mo'], p['b_mo'].reshape(1, 1),
        p['W_so'], p['b_so'].reshape(1, 1))

    return (err1.reshape(()), err2.reshape(()), mean_o)

# --- scband reference (transcript-rebuilt; emitter-appended) ---
"""Pipeline reference for scband-proposal1-model-25391846654128 (READ-ONLY COPY).

The authoritative reference and input builder live on the scoring server;
editing this copy changes nothing except your own understanding.
"""

import jax, jax.numpy as jnp
import numpy as np

SIZE1 = 100000
SIZE2 = 100000
B = 256
T = 50
H = 64
EMB = 32
K = 20
TAU = 1.0


def _init_params(key):
    keys = jax.random.split(key, 64)
    ki = iter(keys)

    def u(shape, fan):
        s = 1.0 / np.sqrt(fan)
        return jax.random.uniform(next(ki), shape, jnp.float32, -s, s)

    p = {}
    p['emb1'] = jax.random.normal(next(ki), (SIZE1, EMB), jnp.float32)
    p['emb2'] = jax.random.normal(next(ki), (SIZE2, EMB), jnp.float32)
    for side in ('left', 'right'):
        for l in range(2):
            in_dim = 1 if l == 0 else H
            p['W_ih_%s%d' % (side, l)] = u((3 * H, in_dim), H)
            p['W_hh_%s%d' % (side, l)] = u((3 * H, H), H)
            p['b_ih_%s%d' % (side, l)] = u((3 * H,), H)
            p['b_hh_%s%d' % (side, l)] = u((3 * H,), H)
    p['W_mean'] = u((1, 2 * H), 2 * H)
    p['b_mean'] = u((1,), 2 * H)
    p['W_std'] = u((1, 2 * H), 2 * H)
    p['b_std'] = u((1,), 2 * H)
    p['W_out1'] = u((64, 8), 8)
    p['b_out1'] = u((64,), 8)
    p['W_mo'] = u((1, 64), 64)
    p['b_mo'] = u((1,), 64)
    p['W_so'] = u((1, 64), 64)
    p['b_so'] = u((1,), 64)
    return p


def setup_inputs(seed: int = 0):
    key = jax.random.key(seed)
    ks = jax.random.split(key, 8)
    return {
        'params': _init_params(ks[0]),
        'x_left': jax.random.normal(ks[1], (B, T), jnp.float32),
        'x_right': jax.random.normal(ks[2], (B, T), jnp.float32),
        'y': jax.random.normal(ks[3], (B,), jnp.float32),
        'index1': jax.random.randint(ks[4], (B,), 0, SIZE1),
        'index2': jax.random.randint(ks[5], (B,), 0, SIZE2),
        'y1_context': jax.random.normal(ks[6], (B, SIZE1), jnp.float32),
        'y2_context': jax.random.normal(ks[7], (B, SIZE2), jnp.float32),
    }


def _gru(x, p, side):
    # x: [T, B, in_dim]; torch nn.GRU with num_layers=2, unidirectional
    out = x
    for l in range(2):
        W_ih = p['W_ih_%s%d' % (side, l)]
        W_hh = p['W_hh_%s%d' % (side, l)]
        b_ih = p['b_ih_%s%d' % (side, l)]
        b_hh = p['b_hh_%s%d' % (side, l)]

        def step(h, xt, W_ih=W_ih, W_hh=W_hh, b_ih=b_ih, b_hh=b_hh):
            gx = xt @ W_ih.T + b_ih
            gh = h @ W_hh.T + b_hh
            r = jax.nn.sigmoid(gx[:, :H] + gh[:, :H])
            z = jax.nn.sigmoid(gx[:, H:2 * H] + gh[:, H:2 * H])
            n = jnp.tanh(gx[:, 2 * H:] + r * gh[:, 2 * H:])
            h2 = (1.0 - z) * n + z * h
            return h2, h2

        h0 = jnp.zeros((out.shape[1], H), jnp.float32)
        _, out = jax.lax.scan(step, h0, out)
    return out  # [T, B, H]


def _cdist(a, b):
    d2 = jnp.sum(a * a, axis=1)[:, None] + jnp.sum(b * b, axis=1)[None, :] - 2.0 * (a @ b.T)
    d2 = jnp.maximum(d2, 0.0)
    return jnp.where(d2 > 0, jnp.sqrt(jnp.where(d2 > 0, d2, 1.0)), 0.0)


def _feats(emb, idx, y_ctx):
    sim = _cdist(emb[idx], emb)                     # [B, size]
    w = jnp.exp(-sim / TAU)
    ind = jnp.argsort(w, axis=1)[:, -(K + 1):-1]    # kNN excluding self (largest weight)
    sel = jnp.take_along_axis(y_ctx, ind, axis=1)   # [B, K]
    wsel = jnp.take_along_axis(w, ind, axis=1)      # [B, K]
    wm = (sel * wsel).sum(axis=1, keepdims=True) / wsel.sum(axis=1, keepdims=True)
    ws = wsel.sum(axis=1, keepdims=True)
    st = jnp.std(sel, axis=1, keepdims=True, ddof=1)  # torch.std unbiased
    return jnp.concatenate([wm, ws, st], axis=1)


def reference(params, x_left, x_right, y, index1, index2, y1_context, y2_context):
    out_l = _gru(jnp.transpose(x_left)[:, :, None], params, 'left')[-1]    # [B, H]
    out_r = _gru(jnp.transpose(x_right)[:, :, None], params, 'right')[-1]  # [B, H]
    temp = jnp.concatenate([out_l, out_r], axis=1)                          # [B, 2H]
    mean_ts = temp @ params['W_mean'].T + params['b_mean']                  # [B, 1]
    std_ts = temp @ params['W_std'].T + params['b_std']                     # [B, 1]
    f1 = _feats(params['emb1'], index1, y1_context)
    f2 = _feats(params['emb2'], index2, y2_context)
    feats = jnp.concatenate([f1, f2, mean_ts, std_ts], axis=1)              # [B, 8]
    h = jnp.maximum(feats @ params['W_out1'].T + params['b_out1'], 0.0)
    mean_o = h @ params['W_mo'].T + params['b_mo']
    std_o = h @ params['W_so'].T + params['b_so']
    err1 = (((y[:, None] - mean_ts) ** 2 / jnp.exp(std_ts)) + std_ts).mean()
    err2 = (((y[:, None] - mean_o) ** 2 / jnp.exp(std_o)) + std_o).mean()
    return (err1, err2, mean_o)

if __name__ == "__main__":
    import jax
    _d = setup_inputs()
    print(jax.jit(kernel)(*tuple(_d.values())))

</pallas_src>

<mosaic_0001>
#map = affine_map<(d0, d1) -> (0, 0)>
#map1 = affine_map<(d0, d1) -> (0)>
module attributes {stable_mosaic.version = 14 : i64} {
  func.func @k(%arg0: i32, %arg1: i32, %arg2: memref<25000x128xf32, #tpu.memory_space<hbm>>, %arg3: memref<256xi32, #tpu.memory_space<hbm>>, %arg4: memref<25000x128xf32, #tpu.memory_space<hbm>>, %arg5: memref<256xi32, #tpu.memory_space<hbm>>, %arg6: memref<256x128xf32, #tpu.memory_space<hbm>>, %arg7: memref<256x128xf32, #tpu.memory_space<hbm>>, %arg8: memref<8xi32, #tpu.memory_space<vmem>>, %arg9: memref<8x128xf32, #tpu.memory_space<vmem>>, %arg10: memref<!tpu.dma_semaphore, #tpu.memory_space<semaphore_mem>>) attributes {dimension_semantics = [#tpu.dimension_semantics<core_parallel>, #tpu.dimension_semantics<subcore_parallel>], iteration_bounds = array<i64: 2, 16>, scalar_prefetch = 0 : i64, scratch_operands = 3 : i64, tpu.core_type = #tpu.core_type<sc_vector_subcore>, window_params = [{transform_indices = #map}, {transform_indices = #map1}, {transform_indices = #map}, {transform_indices = #map1}, {transform_indices = #map}, {transform_indices = #map}]} {
    %mul3A = arith.constant 2 : i32
    %mul3A_0 = arith.muli %arg1, %mul3A : i32
    %add3A = arith.addi %mul3A_0, %arg0 : i32
    %mul3A_1 = arith.constant 8 : i32
    %mul3A_2 = arith.muli %add3A, %mul3A_1 : i32
    "tpu.region"() ({
      %run_scoped3A = tpu.sem_alloc : memref<!tpu.dma_semaphore, #tpu.memory_space<semaphore_mem>>
      %dma_start3A_13 = tpu.memref_slice %arg3[%mul3A_2] : memref<256xi32, #tpu.memory_space<hbm>> -> memref<8xi32, #tpu.memory_space<hbm>>
      %dma_start3A_14 = tpu.memref_slice %arg3[%mul3A_2] : memref<256xi32, #tpu.memory_space<hbm>> -> memref<8xi32, #tpu.memory_space<hbm>>
      tpu.enqueue_dma source(%dma_start3A_14 : memref<8xi32, #tpu.memory_space<hbm>>) target(%arg8 : memref<8xi32, #tpu.memory_space<vmem>>) target_semaphore(%run_scoped3A : memref<!tpu.dma_semaphore, #tpu.memory_space<semaphore_mem>>)
      %dma_wait3A_15 = tpu.memref_slice %arg3[%mul3A_2] : memref<256xi32, #tpu.memory_space<hbm>> -> memref<8xi32, #tpu.memory_space<hbm>>
      %dma_wait3A_16 = tpu.memref_slice %arg3[%mul3A_2] : memref<256xi32, #tpu.memory_space<hbm>> -> memref<8xi32, #tpu.memory_space<hbm>>
      tpu.wait_dma2 semaphore(%run_scoped3A : memref<!tpu.dma_semaphore, #tpu.memory_space<semaphore_mem>>) src(%dma_wait3A_16 : memref<8xi32, #tpu.memory_space<hbm>>) dst(%arg8 : memref<8xi32, #tpu.memory_space<vmem>>)
      tpu.yield
    }) : () -> ()
    %dma_start3A = arith.constant 0 : i32
    %dma_start3A_3 = arith.constant 0 : i32
    %dma_start3A_4 = tpu.memref_slice %arg2[%dma_start3A, %dma_start3A_3] : memref<25000x128xf32, #tpu.memory_space<hbm>> -> memref<25000x128xf32, #tpu.memory_space<hbm>>
    tpu.enqueue_indirect_dma source(%dma_start3A_4 : memref<25000x128xf32, #tpu.memory_space<hbm>>) target(%arg9 : memref<8x128xf32, #tpu.memory_space<vmem>>) offsets(%arg8 : memref<8xi32, #tpu.memory_space<vmem>>) semaphore(%arg10 : memref<!tpu.dma_semaphore, #tpu.memory_space<semaphore_mem>>)
    %dma_wait3A = arith.constant 0 : i32
    %dma_wait3A_5 = arith.constant 0 : i32
    %dma_wait3A_6 = tpu.memref_slice %arg2[%dma_wait3A, %dma_wait3A_5] : memref<25000x128xf32, #tpu.memory_space<hbm>> -> memref<25000x128xf32, #tpu.memory_space<hbm>>
    tpu.wait_indirect_dma semaphore(%arg10 : memref<!tpu.dma_semaphore, #tpu.memory_space<semaphore_mem>>) src(%dma_wait3A_6 : memref<25000x128xf32, #tpu.memory_space<hbm>>) dst(%arg9 : memref<8x128xf32, #tpu.memory_space<vmem>>)
    "tpu.region"() ({
      %run_scoped3A = tpu.sem_alloc : memref<!tpu.dma_semaphore, #tpu.memory_space<semaphore_mem>>
      %dma_start3A_13 = arith.constant 0 : i32
      %dma_start3A_14 = tpu.memref_slice %arg6[%mul3A_2, %dma_start3A_13] : memref<256x128xf32, #tpu.memory_space<hbm>> -> memref<8x128xf32, #tpu.memory_space<hbm>>
      %dma_start3A_15 = arith.constant 0 : i32
      %dma_start3A_16 = tpu.memref_slice %arg6[%mul3A_2, %dma_start3A_15] : memref<256x128xf32, #tpu.memory_space<hbm>> -> memref<8x128xf32, #tpu.memory_space<hbm>>
      tpu.enqueue_dma source(%arg9 : memref<8x128xf32, #tpu.memory_space<vmem>>) target(%dma_start3A_16 : memref<8x128xf32, #tpu.memory_space<hbm>>) target_semaphore(%run_scoped3A : memref<!tpu.dma_semaphore, #tpu.memory_space<semaphore_mem>>)
      %dma_wait3A_17 = arith.constant 0 : i32
      %dma_wait3A_18 = tpu.memref_slice %arg6[%mul3A_2, %dma_wait3A_17] : memref<256x128xf32, #tpu.memory_space<hbm>> -> memref<8x128xf32, #tpu.memory_space<hbm>>
      %dma_wait3A_19 = arith.constant 0 : i32
      %dma_wait3A_20 = tpu.memref_slice %arg6[%mul3A_2, %dma_wait3A_19] : memref<256x128xf32, #tpu.memory_space<hbm>> -> memref<8x128xf32, #tpu.memory_space<hbm>>
      tpu.wait_dma2 semaphore(%run_scoped3A : memref<!tpu.dma_semaphore, #tpu.memory_space<semaphore_mem>>) src(%arg9 : memref<8x128xf32, #tpu.memory_space<vmem>>) dst(%dma_wait3A_20 : memref<8x128xf32, #tpu.memory_space<hbm>>)
      tpu.yield
    }) : () -> ()
    "tpu.region"() ({
      %run_scoped3A = tpu.sem_alloc : memref<!tpu.dma_semaphore, #tpu.memory_space<semaphore_mem>>
      %dma_start3A_13 = tpu.memref_slice %arg5[%mul3A_2] : memref<256xi32, #tpu.memory_space<hbm>> -> memref<8xi32, #tpu.memory_space<hbm>>
      %dma_start3A_14 = tpu.memref_slice %arg5[%mul3A_2] : memref<256xi32, #tpu.memory_space<hbm>> -> memref<8xi32, #tpu.memory_space<hbm>>
      tpu.enqueue_dma source(%dma_start3A_14 : memref<8xi32, #tpu.memory_space<hbm>>) target(%arg8 : memref<8xi32, #tpu.memory_space<vmem>>) target_semaphore(%run_scoped3A : memref<!tpu.dma_semaphore, #tpu.memory_space<semaphore_mem>>)
      %dma_wait3A_15 = tpu.memref_slice %arg5[%mul3A_2] : memref<256xi32, #tpu.memory_space<hbm>> -> memref<8xi32, #tpu.memory_space<hbm>>
      %dma_wait3A_16 = tpu.memref_slice %arg5[%mul3A_2] : memref<256xi32, #tpu.memory_space<hbm>> -> memref<8xi32, #tpu.memory_space<hbm>>
      tpu.wait_dma2 semaphore(%run_scoped3A : memref<!tpu.dma_semaphore, #tpu.memory_space<semaphore_mem>>) src(%dma_wait3A_16 : memref<8xi32, #tpu.memory_space<hbm>>) dst(%arg8 : memref<8xi32, #tpu.memory_space<vmem>>)
      tpu.yield
    }) : () -> ()
    %dma_start3A_7 = arith.constant 0 : i32
    %dma_start3A_8 = arith.constant 0 : i32
    %dma_start3A_9 = tpu.memref_slice %arg4[%dma_start3A_7, %dma_start3A_8] : memref<25000x128xf32, #tpu.memory_space<hbm>> -> memref<25000x128xf32, #tpu.memory_space<hbm>>
    tpu.enqueue_indirect_dma source(%dma_start3A_9 : memref<25000x128xf32, #tpu.memory_space<hbm>>) target(%arg9 : memref<8x128xf32, #tpu.memory_space<vmem>>) offsets(%arg8 : memref<8xi32, #tpu.memory_space<vmem>>) semaphore(%arg10 : memref<!tpu.dma_semaphore, #tpu.memory_space<semaphore_mem>>)
    %dma_wait3A_10 = arith.constant 0 : i32
    %dma_wait3A_11 = arith.constant 0 : i32
    %dma_wait3A_12 = tpu.memref_slice %arg4[%dma_wait3A_10, %dma_wait3A_11] : memref<25000x128xf32, #tpu.memory_space<hbm>> -> memref<25000x128xf32, #tpu.memory_space<hbm>>
    tpu.wait_indirect_dma semaphore(%arg10 : memref<!tpu.dma_semaphore, #tpu.memory_space<semaphore_mem>>) src(%dma_wait3A_12 : memref<25000x128xf32, #tpu.memory_space<hbm>>) dst(%arg9 : memref<8x128xf32, #tpu.memory_space<vmem>>)
    "tpu.region"() ({
      %run_scoped3A = tpu.sem_alloc : memref<!tpu.dma_semaphore, #tpu.memory_space<semaphore_mem>>
      %dma_start3A_13 = arith.constant 0 : i32
      %dma_start3A_14 = tpu.memref_slice %arg7[%mul3A_2, %dma_start3A_13] : memref<256x128xf32, #tpu.memory_space<hbm>> -> memref<8x128xf32, #tpu.memory_space<hbm>>
      %dma_start3A_15 = arith.constant 0 : i32
      %dma_start3A_16 = tpu.memref_slice %arg7[%mul3A_2, %dma_start3A_15] : memref<256x128xf32, #tpu.memory_space<hbm>> -> memref<8x128xf32, #tpu.memory_space<hbm>>
      tpu.enqueue_dma source(%arg9 : memref<8x128xf32, #tpu.memory_space<vmem>>) target(%dma_start3A_16 : memref<8x128xf32, #tpu.memory_space<hbm>>) target_semaphore(%run_scoped3A : memref<!tpu.dma_semaphore, #tpu.memory_space<semaphore_mem>>)
      %dma_wait3A_17 = arith.constant 0 : i32
      %dma_wait3A_18 = tpu.memref_slice %arg7[%mul3A_2, %dma_wait3A_17] : memref<256x128xf32, #tpu.memory_space<hbm>> -> memref<8x128xf32, #tpu.memory_space<hbm>>
      %dma_wait3A_19 = arith.constant 0 : i32
      %dma_wait3A_20 = tpu.memref_slice %arg7[%mul3A_2, %dma_wait3A_19] : memref<256x128xf32, #tpu.memory_space<hbm>> -> memref<8x128xf32, #tpu.memory_space<hbm>>
      tpu.wait_dma2 semaphore(%run_scoped3A : memref<!tpu.dma_semaphore, #tpu.memory_space<semaphore_mem>>) src(%arg9 : memref<8x128xf32, #tpu.memory_space<vmem>>) dst(%dma_wait3A_20 : memref<8x128xf32, #tpu.memory_space<hbm>>)
      tpu.yield
    }) : () -> ()
    return
  }
}

module attributes {stable_mosaic.version = 14 : i64} {
  func.func @_gru_body(%arg0: memref<50x256xf32, #tpu.memory_space<vmem>>, %arg1: memref<50x256xf32, #tpu.memory_space<vmem>>, %arg2: memref<192x1xf32, #tpu.memory_space<vmem>>, %arg3: memref<192x64xf32, #tpu.memory_space<vmem>>, %arg4: memref<192x1xf32, #tpu.memory_space<vmem>>, %arg5: memref<192x1xf32, #tpu.memory_space<vmem>>, %arg6: memref<192x64xf32, #tpu.memory_space<vmem>>, %arg7: memref<192x64xf32, #tpu.memory_space<vmem>>, %arg8: memref<192x1xf32, #tpu.memory_space<vmem>>, %arg9: memref<192x1xf32, #tpu.memory_space<vmem>>, %arg10: memref<192x1xf32, #tpu.memory_space<vmem>>, %arg11: memref<192x64xf32, #tpu.memory_space<vmem>>, %arg12: memref<192x1xf32, #tpu.memory_space<vmem>>, %arg13: memref<192x1xf32, #tpu.memory_space<vmem>>, %arg14: memref<192x64xf32, #tpu.memory_space<vmem>>, %arg15: memref<192x64xf32, #tpu.memory_space<vmem>>, %arg16: memref<192x1xf32, #tpu.memory_space<vmem>>, %arg17: memref<192x1xf32, #tpu.memory_space<vmem>>, %arg18: memref<128x1xf32, #tpu.memory_space<vmem>>, %arg19: memref<1x1xf32, #tpu.memory_space<vmem>>, %arg20: memref<128x1xf32, #tpu.memory_space<vmem>>, %arg21: memref<1x1xf32, #tpu.memory_space<vmem>>, %arg22: memref<1x256xf32, #tpu.memory_space<vmem>>, %arg23: memref<1x256xf32, #tpu.memory_space<vmem>>, %arg24: memref<1x256xf32, #tpu.memory_space<vmem>>, %arg25: memref<1x1xf32, #tpu.memory_space<vmem>>) attributes {dimension_semantics = [], scalar_prefetch = 0 : i64, scratch_operands = 0 : i64, tpu.core_type = #tpu.core_type<tc>} {
    %get3A = arith.constant 0 : index
    %get3A_0 = arith.constant 0 : index
    %get3A_1 = vector.load %arg2[%get3A, %get3A_0] : memref<192x1xf32, #tpu.memory_space<vmem>>, vector<192x1xf32>
    %get3A_2 = arith.constant 0 : index
    %get3A_3 = arith.constant 0 : index
    %get3A_4 = vector.load %arg3[%get3A_2, %get3A_3] : memref<192x64xf32, #tpu.memory_space<vmem>>, vector<192x64xf32>
    %get3A_5 = arith.constant 0 : index
    %get3A_6 = arith.constant 0 : index
    %get3A_7 = vector.load %arg4[%get3A_5, %get3A_6] : memref<192x1xf32, #tpu.memory_space<vmem>>, vector<192x1xf32>
    %get3A_8 = arith.constant 0 : index
    %get3A_9 = arith.constant 0 : index
    %get3A_10 = vector.load %arg5[%get3A_8, %get3A_9] : memref<192x1xf32, #tpu.memory_space<vmem>>, vector<192x1xf32>
    %get3A_11 = arith.constant 0 : index
    %get3A_12 = arith.constant 0 : index
    %get3A_13 = vector.load %arg6[%get3A_11, %get3A_12] : memref<192x64xf32, #tpu.memory_space<vmem>>, vector<192x64xf32>
    %get3A_14 = arith.constant 0 : index
    %get3A_15 = arith.constant 0 : index
    %get3A_16 = vector.load %arg7[%get3A_14, %get3A_15] : memref<192x64xf32, #tpu.memory_space<vmem>>, vector<192x64xf32>
    %get3A_17 = arith.constant 0 : index
    %get3A_18 = arith.constant 0 : index
    %get3A_19 = vector.load %arg8[%get3A_17, %get3A_18] : memref<192x1xf32, #tpu.memory_space<vmem>>, vector<192x1xf32>
    %get3A_20 = arith.constant 0 : index
    %get3A_21 = arith.constant 0 : index
    %get3A_22 = vector.load %arg9[%get3A_20, %get3A_21] : memref<192x1xf32, #tpu.memory_space<vmem>>, vector<192x1xf32>
    %broadcast_in_dim3A = arith.constant 0.000000e+00 : f32
    %broadcast_in_dim3A_23 = vector.broadcast %broadcast_in_dim3A : f32 to vector<64x256xf32>
    %scan3A = arith.constant 0 : i32
    %scan3A_24 = arith.constant 50 : i32
    %scan3A_25 = arith.addi %scan3A, %scan3A_24 : i32
    %scan3A_26 = arith.constant 1 : i32
    %scan3A_27:2 = scf.for %scan3A_104 = %scan3A to %scan3A_25 step %scan3A_26 iter_args(%scan3A_105 = %broadcast_in_dim3A_23, %scan3A_106 = %broadcast_in_dim3A_23) -> (vector<64x256xf32>, vector<64x256xf32>)  : i32 {
      %get3A_107 = arith.index_cast %scan3A_104 : i32 to index
      %get3A_108 = arith.constant 0 : index
      %get3A_109 = vector.load %arg0[%get3A_107, %get3A_108] : memref<50x256xf32, #tpu.memory_space<vmem>>, vector<1x256xf32>
      %mul3A_110 = vector.broadcast %get3A_1 : vector<192x1xf32> to vector<192x256xf32>
      %mul3A_111 = vector.broadcast %get3A_109 : vector<1x256xf32> to vector<192x256xf32>
      %mul3A_112 = arith.mulf %mul3A_110, %mul3A_111 : vector<192x256xf32>
      %add3A_113 = vector.broadcast %get3A_7 : vector<192x1xf32> to vector<192x256xf32>
      %add3A_114 = arith.addf %mul3A_112, %add3A_113 : vector<192x256xf32>
      %dot_general3A = arith.constant dense<0.000000e+00> : vector<192x256xf32>
      %dot_general3A_115 = tpu.matmul %get3A_4, %scan3A_105, %dot_general3A {dimension_numbers = #tpu.dot_dimension_numbers<[1], [0], [0], [1], [0, 0, 1, 1], [], []>, transpose_lhs_hint = false} : vector<192x64xf32>, vector<64x256xf32>, vector<192x256xf32> -> vector<192x256xf32>
      %add3A_116 = vector.broadcast %get3A_10 : vector<192x1xf32> to vector<192x256xf32>
      %add3A_117 = arith.addf %dot_general3A_115, %add3A_116 : vector<192x256xf32>
      %slice3A = vector.extract_strided_slice %add3A_114 {offsets = [0, 0], sizes = [64, 256], strides = [1, 1]} : vector<192x256xf32> to vector<64x256xf32>
      %slice3A_118 = vector.extract_strided_slice %add3A_117 {offsets = [0, 0], sizes = [64, 256], strides = [1, 1]} : vector<192x256xf32> to vector<64x256xf32>
      %add3A_119 = arith.addf %slice3A, %slice3A_118 : vector<64x256xf32>
      %logistic3A = arith.negf %add3A_119 : vector<64x256xf32>
      %logistic3A_120 = math.exp %logistic3A : vector<64x256xf32>
      %logistic3A_121 = arith.constant 1.000000e+00 : f32
      %logistic3A_122 = vector.broadcast %logistic3A_121 : f32 to vector<64x256xf32>
      %logistic3A_123 = arith.addf %logistic3A_122, %logistic3A_120 : vector<64x256xf32>
      %logistic3A_124 = arith.divf %logistic3A_122, %logistic3A_123 : vector<64x256xf32>
      %slice3A_125 = vector.extract_strided_slice %add3A_114 {offsets = [64, 0], sizes = [64, 256], strides = [1, 1]} : vector<192x256xf32> to vector<64x256xf32>
      %slice3A_126 = vector.extract_strided_slice %add3A_117 {offsets = [64, 0], sizes = [64, 256], strides = [1, 1]} : vector<192x256xf32> to vector<64x256xf32>
      %add3A_127 = arith.addf %slice3A_125, %slice3A_126 : vector<64x256xf32>
      %logistic3A_128 = arith.negf %add3A_127 : vector<64x256xf32>
      %logistic3A_129 = math.exp %logistic3A_128 : vector<64x256xf32>
      %logistic3A_130 = arith.constant 1.000000e+00 : f32
      %logistic3A_131 = vector.broadcast %logistic3A_130 : f32 to vector<64x256xf32>
      %logistic3A_132 = arith.addf %logistic3A_131, %logistic3A_129 : vector<64x256xf32>
      %logistic3A_133 = arith.divf %logistic3A_131, %logistic3A_132 : vector<64x256xf32>
      %slice3A_134 = vector.extract_strided_slice %add3A_114 {offsets = [128, 0], sizes = [64, 256], strides = [1, 1]} : vector<192x256xf32> to vector<64x256xf32>
      %slice3A_135 = vector.extract_strided_slice %add3A_117 {offsets = [128, 0], sizes = [64, 256], strides = [1, 1]} : vector<192x256xf32> to vector<64x256xf32>
      %mul3A_136 = arith.mulf %logistic3A_124, %slice3A_135 : vector<64x256xf32>
      %add3A_137 = arith.addf %slice3A_134, %mul3A_136 : vector<64x256xf32>
      %tanh3A = math.tanh %add3A_137 : vector<64x256xf32>
      %sub3A_138 = arith.constant 1.000000e+00 : f32
      %sub3A_139 = vector.broadcast %sub3A_138 : f32 to vector<64x256xf32>
      %sub3A_140 = arith.subf %sub3A_139, %logistic3A_133 : vector<64x256xf32>
      %mul3A_141 = arith.mulf %sub3A_140, %tanh3A : vector<64x256xf32>
      %mul3A_142 = arith.mulf %logistic3A_133, %scan3A_105 : vector<64x256xf32>
      %add3A_143 = arith.addf %mul3A_141, %mul3A_142 : vector<64x256xf32>
      %dot_general3A_144 = arith.constant dense<0.000000e+00> : vector<192x256xf32>
      %dot_general3A_145 = tpu.matmul %get3A_13, %add3A_143, %dot_general3A_144 {dimension_numbers = #tpu.dot_dimension_numbers<[1], [0], [0], [1], [0, 0, 1, 1], [], []>, transpose_lhs_hint = false} : vector<192x64xf32>, vector<64x256xf32>, vector<192x256xf32> -> vector<192x256xf32>
      %add3A_146 = vector.broadcast %get3A_19 : vector<192x1xf32> to vector<192x256xf32>
      %add3A_147 = arith.addf %dot_general3A_145, %add3A_146 : vector<192x256xf32>
      %dot_general3A_148 = arith.constant dense<0.000000e+00> : vector<192x256xf32>
      %dot_general3A_149 = tpu.matmul %get3A_16, %scan3A_106, %dot_general3A_148 {dimension_numbers = #tpu.dot_dimension_numbers<[1], [0], [0], [1], [0, 0, 1, 1], [], []>, transpose_lhs_hint = false} : vector<192x64xf32>, vector<64x256xf32>, vector<192x256xf32> -> vector<192x256xf32>
      %add3A_150 = vector.broadcast %get3A_22 : vector<192x1xf32> to vector<192x256xf32>
      %add3A_151 = arith.addf %dot_general3A_149, %add3A_150 : vector<192x256xf32>
      %slice3A_152 = vector.extract_strided_slice %add3A_147 {offsets = [0, 0], sizes = [64, 256], strides = [1, 1]} : vector<192x256xf32> to vector<64x256xf32>
      %slice3A_153 = vector.extract_strided_slice %add3A_151 {offsets = [0, 0], sizes = [64, 256], strides = [1, 1]} : vector<192x256xf32> to vector<64x256xf32>
      %add3A_154 = arith.addf %slice3A_152, %slice3A_153 : vector<64x256xf32>
      %logistic3A_155 = arith.negf %add3A_154 : vector<64x256xf32>
      %logistic3A_156 = math.exp %logistic3A_155 : vector<64x256xf32>
      %logistic3A_157 = arith.constant 1.000000e+00 : f32
      %logistic3A_158 = vector.broadcast %logistic3A_157 : f32 to vector<64x256xf32>
      %logistic3A_159 = arith.addf %logistic3A_158, %logistic3A_156 : vector<64x256xf32>
      %logistic3A_160 = arith.divf %logistic3A_158, %logistic3A_159 : vector<64x256xf32>
      %slice3A_161 = vector.extract_strided_slice %add3A_147 {offsets = [64, 0], sizes = [64, 256], strides = [1, 1]} : vector<192x256xf32> to vector<64x256xf32>
      %slice3A_162 = vector.extract_strided_slice %add3A_151 {offsets = [64, 0], sizes = [64, 256], strides = [1, 1]} : vector<192x256xf32> to vector<64x256xf32>
      %add3A_163 = arith.addf %slice3A_161, %slice3A_162 : vector<64x256xf32>
      %logistic3A_164 = arith.negf %add3A_163 : vector<64x256xf32>
      %logistic3A_165 = math.exp %logistic3A_164 : vector<64x256xf32>
      %logistic3A_166 = arith.constant 1.000000e+00 : f32
      %logistic3A_167 = vector.broadcast %logistic3A_166 : f32 to vector<64x256xf32>
      %logistic3A_168 = arith.addf %logistic3A_167, %logistic3A_165 : vector<64x256xf32>
      %logistic3A_169 = arith.divf %logistic3A_167, %logistic3A_168 : vector<64x256xf32>
      %slice3A_170 = vector.extract_strided_slice %add3A_147 {offsets = [128, 0], sizes = [64, 256], strides = [1, 1]} : vector<192x256xf32> to vector<64x256xf32>
      %slice3A_171 = vector.extract_strided_slice %add3A_151 {offsets = [128, 0], sizes = [64, 256], strides = [1, 1]} : vector<192x256xf32> to vector<64x256xf32>
      %mul3A_172 = arith.mulf %logistic3A_160, %slice3A_171 : vector<64x256xf32>
      %add3A_173 = arith.addf %slice3A_170, %mul3A_172 : vector<64x256xf32>
      %tanh3A_174 = math.tanh %add3A_173 : vector<64x256xf32>
      %sub3A_175 = arith.constant 1.000000e+00 : f32
      %sub3A_176 = vector.broadcast %sub3A_175 : f32 to vector<64x256xf32>
      %sub3A_177 = arith.subf %sub3A_176, %logistic3A_169 : vector<64x256xf32>
      %mul3A_178 = arith.mulf %sub3A_177, %tanh3A_174 : vector<64x256xf32>
      %mul3A_179 = arith.mulf %logistic3A_169, %scan3A_106 : vector<64x256xf32>
      %add3A_180 = arith.addf %mul3A_178, %mul3A_179 : vector<64x256xf32>
      scf.yield %add3A_143, %add3A_180 : vector<64x256xf32>, vector<64x256xf32>
    }
    %scan3A_28 = arith.constant 50 : i32
    %get3A_29 = arith.constant 0 : index
    %get3A_30 = arith.constant 0 : index
    %get3A_31 = vector.load %arg10[%get3A_29, %get3A_30] : memref<192x1xf32, #tpu.memory_space<vmem>>, vector<192x1xf32>
    %get3A_32 = arith.constant 0 : index
    %get3A_33 = arith.constant 0 : index
    %get3A_34 = vector.load %arg11[%get3A_32, %get3A_33] : memref<192x64xf32, #tpu.memory_space<vmem>>, vector<192x64xf32>
    %get3A_35 = arith.constant 0 : index
    %get3A_36 = arith.constant 0 : index
    %get3A_37 = vector.load %arg12[%get3A_35, %get3A_36] : memref<192x1xf32, #tpu.memory_space<vmem>>, vector<192x1xf32>
    %get3A_38 = arith.constant 0 : index
    %get3A_39 = arith.constant 0 : index
    %get3A_40 = vector.load %arg13[%get3A_38, %get3A_39] : memref<192x1xf32, #tpu.memory_space<vmem>>, vector<192x1xf32>
    %get3A_41 = arith.constant 0 : index
    %get3A_42 = arith.constant 0 : index
    %get3A_43 = vector.load %arg14[%get3A_41, %get3A_42] : memref<192x64xf32, #tpu.memory_space<vmem>>, vector<192x64xf32>
    %get3A_44 = arith.constant 0 : index
    %get3A_45 = arith.constant 0 : index
    %get3A_46 = vector.load %arg15[%get3A_44, %get3A_45] : memref<192x64xf32, #tpu.memory_space<vmem>>, vector<192x64xf32>
    %get3A_47 = arith.constant 0 : index
    %get3A_48 = arith.constant 0 : index
    %get3A_49 = vector.load %arg16[%get3A_47, %get3A_48] : memref<192x1xf32, #tpu.memory_space<vmem>>, vector<192x1xf32>
    %get3A_50 = arith.constant 0 : index
    %get3A_51 = arith.constant 0 : index
    %get3A_52 = vector.load %arg17[%get3A_50, %get3A_51] : memref<192x1xf32, #tpu.memory_space<vmem>>, vector<192x1xf32>
    %broadcast_in_dim3A_53 = arith.constant 0.000000e+00 : f32
    %broadcast_in_dim3A_54 = vector.broadcast %broadcast_in_dim3A_53 : f32 to vector<64x256xf32>
    %scan3A_55 = arith.constant 0 : i32
    %scan3A_56 = arith.constant 50 : i32
    %scan3A_57 = arith.addi %scan3A_55, %scan3A_56 : i32
    %scan3A_58 = arith.constant 1 : i32
    %scan3A_59:2 = scf.for %scan3A_104 = %scan3A_55 to %scan3A_57 step %scan3A_58 iter_args(%scan3A_105 = %broadcast_in_dim3A_54, %scan3A_106 = %broadcast_in_dim3A_54) -> (vector<64x256xf32>, vector<64x256xf32>)  : i32 {
      %get3A_107 = arith.index_cast %scan3A_104 : i32 to index
      %get3A_108 = arith.constant 0 : index
      %get3A_109 = vector.load %arg1[%get3A_107, %get3A_108] : memref<50x256xf32, #tpu.memory_space<vmem>>, vector<1x256xf32>
      %mul3A_110 = vector.broadcast %get3A_31 : vector<192x1xf32> to vector<192x256xf32>
      %mul3A_111 = vector.broadcast %get3A_109 : vector<1x256xf32> to vector<192x256xf32>
      %mul3A_112 = arith.mulf %mul3A_110, %mul3A_111 : vector<192x256xf32>
      %add3A_113 = vector.broadcast %get3A_37 : vector<192x1xf32> to vector<192x256xf32>
      %add3A_114 = arith.addf %mul3A_112, %add3A_113 : vector<192x256xf32>
      %dot_general3A = arith.constant dense<0.000000e+00> : vector<192x256xf32>
      %dot_general3A_115 = tpu.matmul %get3A_34, %scan3A_105, %dot_general3A {dimension_numbers = #tpu.dot_dimension_numbers<[1], [0], [0], [1], [0, 0, 1, 1], [], []>, transpose_lhs_hint = false} : vector<192x64xf32>, vector<64x256xf32>, vector<192x256xf32> -> vector<192x256xf32>
      %add3A_116 = vector.broadcast %get3A_40 : vector<192x1xf32> to vector<192x256xf32>
      %add3A_117 = arith.addf %dot_general3A_115, %add3A_116 : vector<192x256xf32>
      %slice3A = vector.extract_strided_slice %add3A_114 {offsets = [0, 0], sizes = [64, 256], strides = [1, 1]} : vector<192x256xf32> to vector<64x256xf32>
      %slice3A_118 = vector.extract_strided_slice %add3A_117 {offsets = [0, 0], sizes = [64, 256], strides = [1, 1]} : vector<192x256xf32> to vector<64x256xf32>
      %add3A_119 = arith.addf %slice3A, %slice3A_118 : vector<64x256xf32>
      %logistic3A = arith.negf %add3A_119 : vector<64x256xf32>
      %logistic3A_120 = math.exp %logistic3A : vector<64x256xf32>
      %logistic3A_121 = arith.constant 1.000000e+00 : f32
      %logistic3A_122 = vector.broadcast %logistic3A_121 : f32 to vector<64x256xf32>
      %logistic3A_123 = arith.addf %logistic3A_122, %logistic3A_120 : vector<64x256xf32>
      %logistic3A_124 = arith.divf %logistic3A_122, %logistic3A_123 : vector<64x256xf32>
      %slice3A_125 = vector.extract_strided_slice %add3A_114 {offsets = [64, 0], sizes = [64, 256], strides = [1, 1]} : vector<192x256xf32> to vector<64x256xf32>
      %slice3A_126 = vector.extract_strided_slice %add3A_117 {offsets = [64, 0], sizes = [64, 256], strides = [1, 1]} : vector<192x256xf32> to vector<64x256xf32>
      %add3A_127 = arith.addf %slice3A_125, %slice3A_126 : vector<64x256xf32>
      %logistic3A_128 = arith.negf %add3A_127 : vector<64x256xf32>
      %logistic3A_129 = math.exp %logistic3A_128 : vector<64x256xf32>
      %logistic3A_130 = arith.constant 1.000000e+00 : f32
      %logistic3A_131 = vector.broadcast %logistic3A_130 : f32 to vector<64x256xf32>
      %logistic3A_132 = arith.addf %logistic3A_131, %logistic3A_129 : vector<64x256xf32>
      %logistic3A_133 = arith.divf %logistic3A_131, %logistic3A_132 : vector<64x256xf32>
      %slice3A_134 = vector.extract_strided_slice %add3A_114 {offsets = [128, 0], sizes = [64, 256], strides = [1, 1]} : vector<192x256xf32> to vector<64x256xf32>
      %slice3A_135 = vector.extract_strided_slice %add3A_117 {offsets = [128, 0], sizes = [64, 256], strides = [1, 1]} : vector<192x256xf32> to vector<64x256xf32>
      %mul3A_136 = arith.mulf %logistic3A_124, %slice3A_135 : vector<64x256xf32>
      %add3A_137 = arith.addf %slice3A_134, %mul3A_136 : vector<64x256xf32>
      %tanh3A = math.tanh %add3A_137 : vector<64x256xf32>
      %sub3A_138 = arith.constant 1.000000e+00 : f32
      %sub3A_139 = vector.broadcast %sub3A_138 : f32 to vector<64x256xf32>
      %sub3A_140 = arith.subf %sub3A_139, %logistic3A_133 : vector<64x256xf32>
      %mul3A_141 = arith.mulf %sub3A_140, %tanh3A : vector<64x256xf32>
      %mul3A_142 = arith.mulf %logistic3A_133, %scan3A_105 : vector<64x256xf32>
      %add3A_143 = arith.addf %mul3A_141, %mul3A_142 : vector<64x256xf32>
      %dot_general3A_144 = arith.constant dense<0.000000e+00> : vector<192x256xf32>
      %dot_general3A_145 = tpu.matmul %get3A_43, %add3A_143, %dot_general3A_144 {dimension_numbers = #tpu.dot_dimension_numbers<[1], [0], [0], [1], [0, 0, 1, 1], [], []>, transpose_lhs_hint = false} : vector<192x64xf32>, vector<64x256xf32>, vector<192x256xf32> -> vector<192x256xf32>
      %add3A_146 = vector.broadcast %get3A_49 : vector<192x1xf32> to vector<192x256xf32>
      %add3A_147 = arith.addf %dot_general3A_145, %add3A_146 : vector<192x256xf32>
      %dot_general3A_148 = arith.constant dense<0.000000e+00> : vector<192x256xf32>
      %dot_general3A_149 = tpu.matmul %get3A_46, %scan3A_106, %dot_general3A_148 {dimension_numbers = #tpu.dot_dimension_numbers<[1], [0], [0], [1], [0, 0, 1, 1], [], []>, transpose_lhs_hint = false} : vector<192x64xf32>, vector<64x256xf32>, vector<192x256xf32> -> vector<192x256xf32>
      %add3A_150 = vector.broadcast %get3A_52 : vector<192x1xf32> to vector<192x256xf32>
      %add3A_151 = arith.addf %dot_general3A_149, %add3A_150 : vector<192x256xf32>
      %slice3A_152 = vector.extract_strided_slice %add3A_147 {offsets = [0, 0], sizes = [64, 256], strides = [1, 1]} : vector<192x256xf32> to vector<64x256xf32>
      %slice3A_153 = vector.extract_strided_slice %add3A_151 {offsets = [0, 0], sizes = [64, 256], strides = [1, 1]} : vector<192x256xf32> to vector<64x256xf32>
      %add3A_154 = arith.addf %slice3A_152, %slice3A_153 : vector<64x256xf32>
      %logistic3A_155 = arith.negf %add3A_154 : vector<64x256xf32>
      %logistic3A_156 = math.exp %logistic3A_155 : vector<64x256xf32>
      %logistic3A_157 = arith.constant 1.000000e+00 : f32
      %logistic3A_158 = vector.broadcast %logistic3A_157 : f32 to vector<64x256xf32>
      %logistic3A_159 = arith.addf %logistic3A_158, %logistic3A_156 : vector<64x256xf32>
      %logistic3A_160 = arith.divf %logistic3A_158, %logistic3A_159 : vector<64x256xf32>
      %slice3A_161 = vector.extract_strided_slice %add3A_147 {offsets = [64, 0], sizes = [64, 256], strides = [1, 1]} : vector<192x256xf32> to vector<64x256xf32>
      %slice3A_162 = vector.extract_strided_slice %add3A_151 {offsets = [64, 0], sizes = [64, 256], strides = [1, 1]} : vector<192x256xf32> to vector<64x256xf32>
      %add3A_163 = arith.addf %slice3A_161, %slice3A_162 : vector<64x256xf32>
      %logistic3A_164 = arith.negf %add3A_163 : vector<64x256xf32>
      %logistic3A_165 = math.exp %logistic3A_164 : vector<64x256xf32>
      %logistic3A_166 = arith.constant 1.000000e+00 : f32
      %logistic3A_167 = vector.broadcast %logistic3A_166 : f32 to vector<64x256xf32>
      %logistic3A_168 = arith.addf %logistic3A_167, %logistic3A_165 : vector<64x256xf32>
      %logistic3A_169 = arith.divf %logistic3A_167, %logistic3A_168 : vector<64x256xf32>
      %slice3A_170 = vector.extract_strided_slice %add3A_147 {offsets = [128, 0], sizes = [64, 256], strides = [1, 1]} : vector<192x256xf32> to vector<64x256xf32>
      %slice3A_171 = vector.extract_strided_slice %add3A_151 {offsets = [128, 0], sizes = [64, 256], strides = [1, 1]} : vector<192x256xf32> to vector<64x256xf32>
      %mul3A_172 = arith.mulf %logistic3A_160, %slice3A_171 : vector<64x256xf32>
      %add3A_173 = arith.addf %slice3A_170, %mul3A_172 : vector<64x256xf32>
      %tanh3A_174 = math.tanh %add3A_173 : vector<64x256xf32>
      %sub3A_175 = arith.constant 1.000000e+00 : f32
      %sub3A_176 = vector.broadcast %sub3A_175 : f32 to vector<64x256xf32>
      %sub3A_177 = arith.subf %sub3A_176, %logistic3A_169 : vector<64x256xf32>
      %mul3A_178 = arith.mulf %sub3A_177, %tanh3A_174 : vector<64x256xf32>
      %mul3A_179 = arith.mulf %logistic3A_169, %scan3A_106 : vector<64x256xf32>
      %add3A_180 = arith.addf %mul3A_178, %mul3A_179 : vector<64x256xf32>
      scf.yield %add3A_143, %add3A_180 : vector<64x256xf32>, vector<64x256xf32>
    }
    %scan3A_60 = arith.constant 50 : i32
    %concatenate3A = tpu.concatenate %scan3A_27#1, %scan3A_59#1 in 0 : vector<64x256xf32>, vector<64x256xf32> -> vector<128x256xf32>
    %get3A_61 = arith.constant 0 : index
    %get3A_62 = arith.constant 0 : index
    %get3A_63 = vector.load %arg18[%get3A_61, %get3A_62] : memref<128x1xf32, #tpu.memory_space<vmem>>, vector<128x1xf32>
    %mul3A = vector.broadcast %get3A_63 : vector<128x1xf32> to vector<128x256xf32>
    %mul3A_64 = arith.mulf %mul3A, %concatenate3A : vector<128x256xf32>
    %reduce_sum3A = arith.constant dense<0.000000e+00> : vector<256xf32>
    %reduce_sum3A_65 = vector.multi_reduction <add>, %mul3A_64, %reduce_sum3A [0] : vector<128x256xf32> to vector<256xf32>
    %broadcast_in_dim3A_66 = vector.shape_cast %reduce_sum3A_65 : vector<256xf32> to vector<1x256xf32>
    %get3A_67 = arith.constant 0 : index
    %get3A_68 = arith.constant 0 : index
    %get3A_69 = vector.load %arg19[%get3A_67, %get3A_68] : memref<1x1xf32, #tpu.memory_space<vmem>>, vector<1x1xf32>
    %get3A_70 = vector.extract %get3A_69[0, 0] : f32 from vector<1x1xf32>
    %add3A = vector.broadcast %get3A_70 : f32 to vector<1x256xf32>
    %add3A_71 = arith.addf %broadcast_in_dim3A_66, %add3A : vector<1x256xf32>
    %get3A_72 = arith.constant 0 : index
    %get3A_73 = arith.constant 0 : index
    %get3A_74 = vector.load %arg20[%get3A_72, %get3A_73] : memref<128x1xf32, #tpu.memory_space<vmem>>, vector<128x1xf32>
    %mul3A_75 = vector.broadcast %get3A_74 : vector<128x1xf32> to vector<128x256xf32>
    %mul3A_76 = arith.mulf %mul3A_75, %concatenate3A : vector<128x256xf32>
    %reduce_sum3A_77 = arith.constant dense<0.000000e+00> : vector<256xf32>
    %reduce_sum3A_78 = vector.multi_reduction <add>, %mul3A_76, %reduce_sum3A_77 [0] : vector<128x256xf32> to vector<256xf32>
    %broadcast_in_dim3A_79 = vector.shape_cast %reduce_sum3A_78 : vector<256xf32> to vector<1x256xf32>
    %get3A_80 = arith.constant 0 : index
    %get3A_81 = arith.constant 0 : index
    %get3A_82 = vector.load %arg21[%get3A_80, %get3A_81] : memref<1x1xf32, #tpu.memory_space<vmem>>, vector<1x1xf32>
    %get3A_83 = vector.extract %get3A_82[0, 0] : f32 from vector<1x1xf32>
    %add3A_84 = vector.broadcast %get3A_83 : f32 to vector<1x256xf32>
    %add3A_85 = arith.addf %broadcast_in_dim3A_79, %add3A_84 : vector<1x256xf32>
    %swap3A = arith.constant 0 : index
    %swap3A_86 = arith.constant 0 : index
    %swap3A_87 = vector.load %arg23[%swap3A, %swap3A_86] : memref<1x256xf32, #tpu.memory_space<vmem>>, vector<1x256xf32>
    tpu.vector_store %arg23[%swap3A, %swap3A_86], %add3A_71 {strides = array<i32>} : memref<1x256xf32, #tpu.memory_space<vmem>>, vector<1x256xf32>,
    %swap3A_88 = arith.constant 0 : index
    %swap3A_89 = arith.constant 0 : index
    %swap3A_90 = vector.load %arg24[%swap3A_88, %swap3A_89] : memref<1x256xf32, #tpu.memory_space<vmem>>, vector<1x256xf32>
    tpu.vector_store %arg24[%swap3A_88, %swap3A_89], %add3A_85 {strides = array<i32>} : memref<1x256xf32, #tpu.memory_space<vmem>>, vector<1x256xf32>,
    %get3A_91 = arith.constant 0 : index
    %get3A_92 = arith.constant 0 : index
    %get3A_93 = vector.load %arg22[%get3A_91, %get3A_92] : memref<1x256xf32, #tpu.memory_space<vmem>>, vector<1x256xf32>
    %sub3A = arith.subf %get3A_93, %add3A_71 : vector<1x256xf32>
    %integer_pow3A = arith.mulf %sub3A, %sub3A : vector<1x256xf32>
    %exp3A = math.exp %add3A_85 : vector<1x256xf32>
    %div3A = arith.divf %integer_pow3A, %exp3A : vector<1x256xf32>
    %add3A_94 = arith.addf %div3A, %add3A_85 : vector<1x256xf32>
    %reduce_sum3A_95 = arith.constant dense<0.000000e+00> : vector<1xf32>
    %reduce_sum3A_96 = vector.multi_reduction <add>, %add3A_94, %reduce_sum3A_95 [1] : vector<1x256xf32> to vector<1xf32>
    %broadcast_in_dim3A_97 = vector.shape_cast %reduce_sum3A_96 : vector<1xf32> to vector<1x1xf32>
    %div3A_98 = arith.constant 2.560000e+02 : f32
    %div3A_99 = vector.broadcast %div3A_98 : f32 to vector<1x1xf32>
    %div3A_100 = arith.divf %broadcast_in_dim3A_97, %div3A_99 : vector<1x1xf32>
    %swap3A_101 = arith.constant 0 : index
    %swap3A_102 = arith.constant 0 : index
    %swap3A_103 = vector.load %arg25[%swap3A_101, %swap3A_102] : memref<1x1xf32, #tpu.memory_space<vmem>>, vector<1x1xf32>
    tpu.vector_store %arg25[%swap3A_101, %swap3A_102], %div3A_100 {strides = array<i32>} : memref<1x1xf32, #tpu.memory_space<vmem>>, vector<1x1xf32>,
    return
  }
}

module attributes {stable_mosaic.version = 14 : i64} {
  func.func @_topk_body(%arg0: i32, %arg1: memref<256x128xf32, #tpu.memory_space<vmem>>, %arg2: memref<256x1xi32, #tpu.memory_space<vmem>>, %arg3: memref<2048x32xf32, #tpu.memory_space<vmem>>, %arg4: memref<256x2048xf32, #tpu.memory_space<vmem>>, %arg5: memref<256x21xf32, #tpu.memory_space<vmem>>, %arg6: memref<256x21xf32, #tpu.memory_space<vmem>>, %arg7: memref<256x2048xf32, #tpu.memory_space<vmem>>) attributes {dimension_semantics = [#tpu.dimension_semantics<arbitrary>], iteration_bounds = array<i64: 49>, scalar_prefetch = 0 : i64, scratch_operands = 1 : i64, tpu.core_type = #tpu.core_type<tc>, window_params = [{pipeline_mode = #tpu.pipeline_mode<synchronous>, transform_indices = @transform_0, window_bounds = array<i64: 256, 128>}, {pipeline_mode = #tpu.pipeline_mode<synchronous>, transform_indices = @transform_1, window_bounds = array<i64: 256, 1>}, {transform_indices = @transform_2, window_bounds = array<i64: 2048, 32>}, {transform_indices = @transform_3, window_bounds = array<i64: 256, 2048>}, {pipeline_mode = #tpu.pipeline_mode<synchronous>, transform_indices = @transform_4, window_bounds = array<i64: 256, 21>}, {pipeline_mode = #tpu.pipeline_mode<synchronous>, transform_indices = @transform_5, window_bounds = array<i64: 256, 21>}]} {
    %eq3A = arith.constant 0 : i32
    %eq3A_0 = arith.cmpi eq, %arg0, %eq3A : i32
    %convert_element_type3A = arith.extui %eq3A_0 : i1 to i32
    %cond3A = arith.constant 0 : i32
    %cond3A_1 = arith.cmpi ne, %convert_element_type3A, %cond3A : i32
    scf.if %cond3A_1 {
      %broadcast_in_dim3A_117 = arith.constant 0x7F800000 : f32
      %broadcast_in_dim3A_118 = vector.broadcast %broadcast_in_dim3A_117 : f32 to vector<256x21xf32>
      %swap3A_119 = arith.constant 0 : index
      %swap3A_120 = arith.constant 0 : index
      %swap3A_121 = vector.load %arg5[%swap3A_119, %swap3A_120] : memref<256x21xf32, #tpu.memory_space<vmem>>, vector<256x21xf32>
      tpu.vector_store %arg5[%swap3A_119, %swap3A_120], %broadcast_in_dim3A_118 {strides = array<i32>} : memref<256x21xf32, #tpu.memory_space<vmem>>, vector<256x21xf32>,
      %broadcast_in_dim3A_122 = arith.constant 0.000000e+00 : f32
      %broadcast_in_dim3A_123 = vector.broadcast %broadcast_in_dim3A_122 : f32 to vector<256x21xf32>
      %swap3A_124 = arith.constant 0 : index
      %swap3A_125 = arith.constant 0 : index
      %swap3A_126 = vector.load %arg6[%swap3A_124, %swap3A_125] : memref<256x21xf32, #tpu.memory_space<vmem>>, vector<256x21xf32>
      tpu.vector_store %arg6[%swap3A_124, %swap3A_125], %broadcast_in_dim3A_123 {strides = array<i32>} : memref<256x21xf32, #tpu.memory_space<vmem>>, vector<256x21xf32>,
    } else {
    }
    %get3A = arith.constant 0 : index
    %get3A_2 = arith.constant 0 : index
    %get3A_3 = vector.load %arg2[%get3A, %get3A_2] : memref<256x1xi32, #tpu.memory_space<vmem>>, vector<256x1xi32>
    %broadcast_in_dim3A = arith.constant 0.000000e+00 : f32
    %broadcast_in_dim3A_4 = vector.broadcast %broadcast_in_dim3A : f32 to vector<256x32xf32>
    %eq3A_5 = arith.constant 0 : i32
    %eq3A_6 = vector.broadcast %eq3A_5 : i32 to vector<256x1xi32>
    %eq3A_7 = arith.cmpi eq, %get3A_3, %eq3A_6 : vector<256x1xi32>
    %get3A_8 = arith.constant 0 : index
    %get3A_9 = arith.constant 0 : index
    %get3A_10 = vector.load %arg1[%get3A_8, %get3A_9] : memref<256x128xf32, #tpu.memory_space<vmem>>, vector<256x32xf32>
    %jit3A = arith.constant 0.000000e+00 : f32
    %broadcast_in_dim3A_11 = vector.shape_cast %eq3A_7 : vector<256x1xi1> to vector<256x1xi1>
    %broadcast_in_dim3A_12 = vector.broadcast %broadcast_in_dim3A_11 : vector<256x1xi1> to vector<256x32xi1>
    %broadcast_in_dim3A_13 = vector.broadcast %jit3A : f32 to vector<256x32xf32>
    %select_n3A = arith.select %broadcast_in_dim3A_12, %get3A_10, %broadcast_in_dim3A_13 : vector<256x32xi1>, vector<256x32xf32>
    %add3A = arith.addf %broadcast_in_dim3A_4, %select_n3A : vector<256x32xf32>
    %eq3A_14 = arith.constant 1 : i32
    %eq3A_15 = vector.broadcast %eq3A_14 : i32 to vector<256x1xi32>
    %eq3A_16 = arith.cmpi eq, %get3A_3, %eq3A_15 : vector<256x1xi32>
    %get3A_17 = arith.constant 0 : index
    %get3A_18 = arith.constant 32 : index
    %get3A_19 = vector.load %arg1[%get3A_17, %get3A_18] : memref<256x128xf32, #tpu.memory_space<vmem>>, vector<256x32xf32>
    %jit3A_20 = arith.constant 0.000000e+00 : f32
    %broadcast_in_dim3A_21 = vector.shape_cast %eq3A_16 : vector<256x1xi1> to vector<256x1xi1>
    %broadcast_in_dim3A_22 = vector.broadcast %broadcast_in_dim3A_21 : vector<256x1xi1> to vector<256x32xi1>
    %broadcast_in_dim3A_23 = vector.broadcast %jit3A_20 : f32 to vector<256x32xf32>
    %select_n3A_24 = arith.select %broadcast_in_dim3A_22, %get3A_19, %broadcast_in_dim3A_23 : vector<256x32xi1>, vector<256x32xf32>
    %add3A_25 = arith.addf %add3A, %select_n3A_24 : vector<256x32xf32>
    %eq3A_26 = arith.constant 2 : i32
    %eq3A_27 = vector.broadcast %eq3A_26 : i32 to vector<256x1xi32>
    %eq3A_28 = arith.cmpi eq, %get3A_3, %eq3A_27 : vector<256x1xi32>
    %get3A_29 = arith.constant 0 : index
    %get3A_30 = arith.constant 64 : index
    %get3A_31 = vector.load %arg1[%get3A_29, %get3A_30] : memref<256x128xf32, #tpu.memory_space<vmem>>, vector<256x32xf32>
    %jit3A_32 = arith.constant 0.000000e+00 : f32
    %broadcast_in_dim3A_33 = vector.shape_cast %eq3A_28 : vector<256x1xi1> to vector<256x1xi1>
    %broadcast_in_dim3A_34 = vector.broadcast %broadcast_in_dim3A_33 : vector<256x1xi1> to vector<256x32xi1>
    %broadcast_in_dim3A_35 = vector.broadcast %jit3A_32 : f32 to vector<256x32xf32>
    %select_n3A_36 = arith.select %broadcast_in_dim3A_34, %get3A_31, %broadcast_in_dim3A_35 : vector<256x32xi1>, vector<256x32xf32>
    %add3A_37 = arith.addf %add3A_25, %select_n3A_36 : vector<256x32xf32>
    %eq3A_38 = arith.constant 3 : i32
    %eq3A_39 = vector.broadcast %eq3A_38 : i32 to vector<256x1xi32>
    %eq3A_40 = arith.cmpi eq, %get3A_3, %eq3A_39 : vector<256x1xi32>
    %get3A_41 = arith.constant 0 : index
    %get3A_42 = arith.constant 96 : index
    %get3A_43 = vector.load %arg1[%get3A_41, %get3A_42] : memref<256x128xf32, #tpu.memory_space<vmem>>, vector<256x32xf32>
    %jit3A_44 = arith.constant 0.000000e+00 : f32
    %broadcast_in_dim3A_45 = vector.shape_cast %eq3A_40 : vector<256x1xi1> to vector<256x1xi1>
    %broadcast_in_dim3A_46 = vector.broadcast %broadcast_in_dim3A_45 : vector<256x1xi1> to vector<256x32xi1>
    %broadcast_in_dim3A_47 = vector.broadcast %jit3A_44 : f32 to vector<256x32xf32>
    %select_n3A_48 = arith.select %broadcast_in_dim3A_46, %get3A_43, %broadcast_in_dim3A_47 : vector<256x32xi1>, vector<256x32xf32>
    %add3A_49 = arith.addf %add3A_37, %select_n3A_48 : vector<256x32xf32>
    %get3A_50 = arith.constant 0 : index
    %get3A_51 = arith.constant 0 : index
    %get3A_52 = vector.load %arg3[%get3A_50, %get3A_51] : memref<2048x32xf32, #tpu.memory_space<vmem>>, vector<2048x32xf32>
    %mul3A = arith.mulf %add3A_49, %add3A_49 : vector<256x32xf32>
    %reduce_sum3A = arith.constant dense<0.000000e+00> : vector<256xf32>
    %reduce_sum3A_53 = vector.multi_reduction <add>, %mul3A, %reduce_sum3A [1] : vector<256x32xf32> to vector<256xf32>
    %broadcast_in_dim3A_54 = vector.shape_cast %reduce_sum3A_53 : vector<256xf32> to vector<256x1xf32>
    %convert_element_type3A_55 = arith.truncf %add3A_49 : vector<256x32xf32> to vector<256x32xbf16>
    %convert_element_type3A_56 = arith.extf %convert_element_type3A_55 : vector<256x32xbf16> to vector<256x32xf32>
    %convert_element_type3A_57 = arith.truncf %get3A_52 : vector<2048x32xf32> to vector<2048x32xbf16>
    %convert_element_type3A_58 = arith.extf %convert_element_type3A_57 : vector<2048x32xbf16> to vector<2048x32xf32>
    %dot_general3A = arith.constant dense<0.000000e+00> : vector<256x2048xf32>
    %dot_general3A_59 = tpu.matmul %convert_element_type3A_56, %convert_element_type3A_58, %dot_general3A {dimension_numbers = #tpu.dot_dimension_numbers<[1], [1], [0], [0], [0, 0, 1, 0], [], []>, transpose_lhs_hint = false} : vector<256x32xf32>, vector<2048x32xf32>, vector<256x2048xf32> -> vector<256x2048xf32>
    %mul3A_60 = arith.mulf %get3A_52, %get3A_52 : vector<2048x32xf32>
    %convert_element_type3A_61 = arith.truncf %mul3A_60 : vector<2048x32xf32> to vector<2048x32xbf16>
    %convert_element_type3A_62 = arith.extf %convert_element_type3A_61 : vector<2048x32xbf16> to vector<2048x32xf32>
    %sub3A = arith.subf %mul3A_60, %convert_element_type3A_62 : vector<2048x32xf32>
    %convert_element_type3A_63 = arith.truncf %sub3A : vector<2048x32xf32> to vector<2048x32xbf16>
    %convert_element_type3A_64 = arith.extf %convert_element_type3A_63 : vector<2048x32xbf16> to vector<2048x32xf32>
    %sub3A_65 = arith.subf %sub3A, %convert_element_type3A_64 : vector<2048x32xf32>
    %convert_element_type3A_66 = arith.truncf %sub3A_65 : vector<2048x32xf32> to vector<2048x32xbf16>
    %convert_element_type3A_67 = arith.extf %convert_element_type3A_66 : vector<2048x32xbf16> to vector<2048x32xf32>
    %concatenate3A = tpu.concatenate %convert_element_type3A_62, %convert_element_type3A_64, %convert_element_type3A_67 in 1 : vector<2048x32xf32>, vector<2048x32xf32>, vector<2048x32xf32> -> vector<2048x96xf32>
    %broadcast_in_dim3A_68 = arith.constant 1.000000e+00 : f32
    %broadcast_in_dim3A_69 = vector.broadcast %broadcast_in_dim3A_68 : f32 to vector<1x96xf32>
    %dot_general3A_70 = arith.constant dense<0.000000e+00> : vector<1x2048xf32>
    %dot_general3A_71 = tpu.matmul %broadcast_in_dim3A_69, %concatenate3A, %dot_general3A_70 {dimension_numbers = #tpu.dot_dimension_numbers<[1], [1], [0], [0], [0, 0, 1, 0], [], []>, transpose_lhs_hint = false} : vector<1x96xf32>, vector<2048x96xf32>, vector<1x2048xf32> -> vector<1x2048xf32>
    %iota3A = tpu.iota {dimensions = array<i32: 1>} : vector<256x2048xi32>
    %mul3A_72 = arith.constant 2048 : i32
    %mul3A_73 = arith.muli %arg0, %mul3A_72 : i32
    %add3A_74 = vector.broadcast %mul3A_73 : i32 to vector<256x2048xi32>
    %add3A_75 = arith.addi %iota3A, %add3A_74 : vector<256x2048xi32>
    %add3A_76 = vector.broadcast %broadcast_in_dim3A_54 : vector<256x1xf32> to vector<256x2048xf32>
    %add3A_77 = vector.broadcast %dot_general3A_71 : vector<1x2048xf32> to vector<256x2048xf32>
    %add3A_78 = arith.addf %add3A_76, %add3A_77 : vector<256x2048xf32>
    %mul3A_79 = arith.constant 2.000000e+00 : f32
    %mul3A_80 = vector.broadcast %mul3A_79 : f32 to vector<256x2048xf32>
    %mul3A_81 = arith.mulf %mul3A_80, %dot_general3A_59 : vector<256x2048xf32>
    %sub3A_82 = arith.subf %add3A_78, %mul3A_81 : vector<256x2048xf32>
    %lt3A = arith.constant 100000 : i32
    %lt3A_83 = vector.broadcast %lt3A : i32 to vector<256x2048xi32>
    %lt3A_84 = arith.cmpi slt, %add3A_75, %lt3A_83 : vector<256x2048xi32>
    %jit3A_85 = arith.constant 0x7F800000 : f32
    %broadcast_in_dim3A_86 = vector.broadcast %jit3A_85 : f32 to vector<256x2048xf32>
    %select_n3A_87 = arith.select %lt3A_84, %sub3A_82, %broadcast_in_dim3A_86 : vector<256x2048xi1>, vector<256x2048xf32>
    %swap3A = arith.constant 0 : index
    %swap3A_88 = arith.constant 0 : index
    %swap3A_89 = vector.load %arg7[%swap3A, %swap3A_88] : memref<256x2048xf32, #tpu.memory_space<vmem>>, vector<256x2048xf32>
    tpu.vector_store %arg7[%swap3A, %swap3A_88], %select_n3A_87 {strides = array<i32>} : memref<256x2048xf32, #tpu.memory_space<vmem>>, vector<256x2048xf32>,
    %get3A_90 = arith.constant 0 : index
    %get3A_91 = arith.constant 0 : index
    %get3A_92 = vector.load %arg5[%get3A_90, %get3A_91] : memref<256x21xf32, #tpu.memory_space<vmem>>, vector<256x21xf32>
    %reduce_max3A = arith.constant dense<0xFF800000> : vector<256xf32>
    %reduce_max3A_93 = vector.multi_reduction <maximumf>, %get3A_92, %reduce_max3A [1] : vector<256x21xf32> to vector<256xf32>
    %broadcast_in_dim3A_94 = vector.shape_cast %reduce_max3A_93 : vector<256xf32> to vector<256x1xf32>
    %lt3A_95 = vector.broadcast %broadcast_in_dim3A_94 : vector<256x1xf32> to vector<256x2048xf32>
    %lt3A_96 = arith.cmpf olt, %select_n3A_87, %lt3A_95 : vector<256x2048xf32>
    %convert_element_type3A_97 = arith.extui %lt3A_96 : vector<256x2048xi1> to vector<256x2048xi32>
    %reduce_sum3A_98 = arith.constant dense<0> : vector<256xi32>
    %reduce_sum3A_99 = vector.multi_reduction <add>, %convert_element_type3A_97, %reduce_sum3A_98 [1] : vector<256x2048xi32> to vector<256xi32>
    %broadcast_in_dim3A_100 = vector.shape_cast %reduce_sum3A_99 : vector<256xi32> to vector<256x1xi32>
    %reduce_max3A_101 = vector.shape_cast %broadcast_in_dim3A_100 : vector<256x1xi32> to vector<1x256x1xi32>
    %reduce_max3A_102 = arith.constant dense<-2147483648> : vector<1xi32>
    %reduce_max3A_103 = vector.multi_reduction <maxsi>, %reduce_max3A_101, %reduce_max3A_102 [1, 2] : vector<1x256x1xi32> to vector<1xi32>
    %reduce_max3A_104 = vector.shape_cast %reduce_max3A_103 : vector<1xi32> to vector<1x1x1xi32>
    %reduce_max3A_105 = vector.extract %reduce_max3A_104[0, 0, 0] : i32 from vector<1x1x1xi32>
    %min3A = arith.constant 21 : i32
    %min3A_106 = arith.minsi %reduce_max3A_105, %min3A : i32
    %iota3A_107 = tpu.iota {dimensions = array<i32: 1>} : vector<256x21xi32>
    %while3A = arith.constant 0 : i32
    %while3A_108 = arith.constant 0 : i32
    %while3A_109 = arith.subi %min3A_106, %while3A_108 : i32
    %while3A_110 = arith.addi %while3A_108, %while3A_109 : i32
    %while3A_111 = arith.constant 1 : i32
    %while3A_112 = arith.divsi %while3A_109, %while3A_111 : i32
    %while3A_113 = arith.muli %while3A_112, %while3A_111 : i32
    %while3A_114 = arith.addi %while3A_108, %while3A_113 : i32
    %while3A_115 = arith.constant 1 : i32
    scf.for %while3A_117 = %while3A_108 to %while3A_114 step %while3A_115  : i32 {
      %get3A_118 = arith.constant 0 : index
      %get3A_119 = arith.constant 0 : index
      %get3A_120 = vector.load %arg7[%get3A_118, %get3A_119] : memref<256x2048xf32, #tpu.memory_space<vmem>>, vector<256x2048xf32>
      %reduce_min3A = arith.constant dense<0x7F800000> : vector<256xf32>
      %reduce_min3A_121 = vector.multi_reduction <minimumf>, %get3A_120, %reduce_min3A [1] : vector<256x2048xf32> to vector<256xf32>
      %broadcast_in_dim3A_122 = vector.shape_cast %reduce_min3A_121 : vector<256xf32> to vector<256x1xf32>
      %eq3A_123 = vector.broadcast %broadcast_in_dim3A_122 : vector<256x1xf32> to vector<256x2048xf32>
      %eq3A_124 = arith.cmpf oeq, %get3A_120, %eq3A_123 : vector<256x2048xf32>
      %jit3A_125 = arith.constant 2147483647 : i32
      %broadcast_in_dim3A_126 = vector.broadcast %jit3A_125 : i32 to vector<256x2048xi32>
      %select_n3A_127 = arith.select %eq3A_124, %add3A_75, %broadcast_in_dim3A_126 : vector<256x2048xi1>, vector<256x2048xi32>
      %reduce_min3A_128 = arith.constant dense<2147483647> : vector<256xi32>
      %reduce_min3A_129 = vector.multi_reduction <minsi>, %select_n3A_127, %reduce_min3A_128 [1] : vector<256x2048xi32> to vector<256xi32>
      %broadcast_in_dim3A_130 = vector.shape_cast %reduce_min3A_129 : vector<256xi32> to vector<256x1xi32>
      %eq3A_131 = vector.broadcast %broadcast_in_dim3A_130 : vector<256x1xi32> to vector<256x2048xi32>
      %eq3A_132 = arith.cmpi eq, %add3A_75, %eq3A_131 : vector<256x2048xi32>
      %jit3A_133 = arith.constant 0x7F800000 : f32
      %broadcast_in_dim3A_134 = vector.broadcast %jit3A_133 : f32 to vector<256x2048xf32>
      %select_n3A_135 = arith.select %eq3A_132, %broadcast_in_dim3A_134, %get3A_120 : vector<256x2048xi1>, vector<256x2048xf32>
      %swap3A_136 = arith.constant 0 : index
      %swap3A_137 = arith.constant 0 : index
      %swap3A_138 = vector.load %arg7[%swap3A_136, %swap3A_137] : memref<256x2048xf32, #tpu.memory_space<vmem>>, vector<256x2048xf32>
      tpu.vector_store %arg7[%swap3A_136, %swap3A_137], %select_n3A_135 {strides = array<i32>} : memref<256x2048xf32, #tpu.memory_space<vmem>>, vector<256x2048xf32>,
      %get3A_139 = arith.constant 0 : index
      %get3A_140 = arith.constant 0 : index
      %get3A_141 = vector.load %arg4[%get3A_139, %get3A_140] : memref<256x2048xf32, #tpu.memory_space<vmem>>, vector<256x2048xf32>
      %jit3A_142 = arith.constant 0.000000e+00 : f32
      %broadcast_in_dim3A_143 = vector.broadcast %jit3A_142 : f32 to vector<256x2048xf32>
      %select_n3A_144 = arith.select %eq3A_132, %get3A_141, %broadcast_in_dim3A_143 : vector<256x2048xi1>, vector<256x2048xf32>
      %reduce_sum3A_145 = arith.constant dense<0.000000e+00> : vector<256xf32>
      %reduce_sum3A_146 = vector.multi_reduction <add>, %select_n3A_144, %reduce_sum3A_145 [1] : vector<256x2048xf32> to vector<256xf32>
      %broadcast_in_dim3A_147 = vector.shape_cast %reduce_sum3A_146 : vector<256xf32> to vector<256x1xf32>
      %get3A_148 = arith.constant 0 : index
      %get3A_149 = arith.constant 0 : index
      %get3A_150 = vector.load %arg5[%get3A_148, %get3A_149] : memref<256x21xf32, #tpu.memory_space<vmem>>, vector<256x21xf32>
      %reduce_max3A_151 = arith.constant dense<0xFF800000> : vector<256xf32>
      %reduce_max3A_152 = vector.multi_reduction <maximumf>, %get3A_150, %reduce_max3A_151 [1] : vector<256x21xf32> to vector<256xf32>
      %broadcast_in_dim3A_153 = vector.shape_cast %reduce_max3A_152 : vector<256xf32> to vector<256x1xf32>
      %eq3A_154 = vector.broadcast %broadcast_in_dim3A_153 : vector<256x1xf32> to vector<256x21xf32>
      %eq3A_155 = arith.cmpf oeq, %get3A_150, %eq3A_154 : vector<256x21xf32>
      %jit3A_156 = arith.constant 2147483647 : i32
      %broadcast_in_dim3A_157 = vector.broadcast %jit3A_156 : i32 to vector<256x21xi32>
      %select_n3A_158 = arith.select %eq3A_155, %iota3A_107, %broadcast_in_dim3A_157 : vector<256x21xi1>, vector<256x21xi32>
      %reduce_min3A_159 = arith.constant dense<2147483647> : vector<256xi32>
      %reduce_min3A_160 = vector.multi_reduction <minsi>, %select_n3A_158, %reduce_min3A_159 [1] : vector<256x21xi32> to vector<256xi32>
      %broadcast_in_dim3A_161 = vector.shape_cast %reduce_min3A_160 : vector<256xi32> to vector<256x1xi32>
      %eq3A_162 = vector.broadcast %broadcast_in_dim3A_161 : vector<256x1xi32> to vector<256x21xi32>
      %eq3A_163 = arith.cmpi eq, %iota3A_107, %eq3A_162 : vector<256x21xi32>
      %lt3A_164 = arith.cmpf olt, %broadcast_in_dim3A_122, %broadcast_in_dim3A_153 : vector<256x1xf32>
      %and3A = vector.broadcast %lt3A_164 : vector<256x1xi1> to vector<256x21xi1>
      %and3A_165 = arith.andi %eq3A_163, %and3A : vector<256x21xi1>
      %broadcast_in_dim3A_166 = vector.shape_cast %broadcast_in_dim3A_122 : vector<256x1xf32> to vector<256x1xf32>
      %broadcast_in_dim3A_167 = vector.broadcast %broadcast_in_dim3A_166 : vector<256x1xf32> to vector<256x21xf32>
      %select_n3A_168 = arith.select %and3A_165, %broadcast_in_dim3A_167, %get3A_150 : vector<256x21xi1>, vector<256x21xf32>
      %swap3A_169 = arith.constant 0 : index
      %swap3A_170 = arith.constant 0 : index
      %swap3A_171 = vector.load %arg5[%swap3A_169, %swap3A_170] : memref<256x21xf32, #tpu.memory_space<vmem>>, vector<256x21xf32>
      tpu.vector_store %arg5[%swap3A_169, %swap3A_170], %select_n3A_168 {strides = array<i32>} : memref<256x21xf32, #tpu.memory_space<vmem>>, vector<256x21xf32>,
      %get3A_172 = arith.constant 0 : index
      %get3A_173 = arith.constant 0 : index
      %get3A_174 = vector.load %arg6[%get3A_172, %get3A_173] : memref<256x21xf32, #tpu.memory_space<vmem>>, vector<256x21xf32>
      %broadcast_in_dim3A_175 = vector.shape_cast %broadcast_in_dim3A_147 : vector<256x1xf32> to vector<256x1xf32>
      %broadcast_in_dim3A_176 = vector.broadcast %broadcast_in_dim3A_175 : vector<256x1xf32> to vector<256x21xf32>
      %select_n3A_177 = arith.select %and3A_165, %broadcast_in_dim3A_176, %get3A_174 : vector<256x21xi1>, vector<256x21xf32>
      %swap3A_178 = arith.constant 0 : index
      %swap3A_179 = arith.constant 0 : index
      %swap3A_180 = vector.load %arg6[%swap3A_178, %swap3A_179] : memref<256x21xf32, #tpu.memory_space<vmem>>, vector<256x21xf32>
      tpu.vector_store %arg6[%swap3A_178, %swap3A_179], %select_n3A_177 {strides = array<i32>} : memref<256x21xf32, #tpu.memory_space<vmem>>, vector<256x21xf32>,
    }
    %while3A_116 = arith.constant 1 : i32
    scf.for %while3A_117 = %while3A_114 to %while3A_110 step %while3A_116  : i32 {
      %get3A_118 = arith.constant 0 : index
      %get3A_119 = arith.constant 0 : index
      %get3A_120 = vector.load %arg7[%get3A_118, %get3A_119] : memref<256x2048xf32, #tpu.memory_space<vmem>>, vector<256x2048xf32>
      %reduce_min3A = arith.constant dense<0x7F800000> : vector<256xf32>
      %reduce_min3A_121 = vector.multi_reduction <minimumf>, %get3A_120, %reduce_min3A [1] : vector<256x2048xf32> to vector<256xf32>
      %broadcast_in_dim3A_122 = vector.shape_cast %reduce_min3A_121 : vector<256xf32> to vector<256x1xf32>
      %eq3A_123 = vector.broadcast %broadcast_in_dim3A_122 : vector<256x1xf32> to vector<256x2048xf32>
      %eq3A_124 = arith.cmpf oeq, %get3A_120, %eq3A_123 : vector<256x2048xf32>
      %jit3A_125 = arith.constant 2147483647 : i32
      %broadcast_in_dim3A_126 = vector.broadcast %jit3A_125 : i32 to vector<256x2048xi32>
      %select_n3A_127 = arith.select %eq3A_124, %add3A_75, %broadcast_in_dim3A_126 : vector<256x2048xi1>, vector<256x2048xi32>
      %reduce_min3A_128 = arith.constant dense<2147483647> : vector<256xi32>
      %reduce_min3A_129 = vector.multi_reduction <minsi>, %select_n3A_127, %reduce_min3A_128 [1] : vector<256x2048xi32> to vector<256xi32>
      %broadcast_in_dim3A_130 = vector.shape_cast %reduce_min3A_129 : vector<256xi32> to vector<256x1xi32>
      %eq3A_131 = vector.broadcast %broadcast_in_dim3A_130 : vector<256x1xi32> to vector<256x2048xi32>
      %eq3A_132 = arith.cmpi eq, %add3A_75, %eq3A_131 : vector<256x2048xi32>
      %jit3A_133 = arith.constant 0x7F800000 : f32
      %broadcast_in_dim3A_134 = vector.broadcast %jit3A_133 : f32 to vector<256x2048xf32>
      %select_n3A_135 = arith.select %eq3A_132, %broadcast_in_dim3A_134, %get3A_120 : vector<256x2048xi1>, vector<256x2048xf32>
      %swap3A_136 = arith.constant 0 : index
      %swap3A_137 = arith.constant 0 : index
      %swap3A_138 = vector.load %arg7[%swap3A_136, %swap3A_137] : memref<256x2048xf32, #tpu.memory_space<vmem>>, vector<256x2048xf32>
      tpu.vector_store %arg7[%swap3A_136, %swap3A_137], %select_n3A_135 {strides = array<i32>} : memref<256x2048xf32, #tpu.memory_space<vmem>>, vector<256x2048xf32>,
      %get3A_139 = arith.constant 0 : index
      %get3A_140 = arith.constant 0 : index
      %get3A_141 = vector.load %arg4[%get3A_139, %get3A_140] : memref<256x2048xf32, #tpu.memory_space<vmem>>, vector<256x2048xf32>
      %jit3A_142 = arith.constant 0.000000e+00 : f32
      %broadcast_in_dim3A_143 = vector.broadcast %jit3A_142 : f32 to vector<256x2048xf32>
      %select_n3A_144 = arith.select %eq3A_132, %get3A_141, %broadcast_in_dim3A_143 : vector<256x2048xi1>, vector<256x2048xf32>
      %reduce_sum3A_145 = arith.constant dense<0.000000e+00> : vector<256xf32>
      %reduce_sum3A_146 = vector.multi_reduction <add>, %select_n3A_144, %reduce_sum3A_145 [1] : vector<256x2048xf32> to vector<256xf32>
      %broadcast_in_dim3A_147 = vector.shape_cast %reduce_sum3A_146 : vector<256xf32> to vector<256x1xf32>
      %get3A_148 = arith.constant 0 : index
      %get3A_149 = arith.constant 0 : index
      %get3A_150 = vector.load %arg5[%get3A_148, %get3A_149] : memref<256x21xf32, #tpu.memory_space<vmem>>, vector<256x21xf32>
      %reduce_max3A_151 = arith.constant dense<0xFF800000> : vector<256xf32>
      %reduce_max3A_152 = vector.multi_reduction <maximumf>, %get3A_150, %reduce_max3A_151 [1] : vector<256x21xf32> to vector<256xf32>
      %broadcast_in_dim3A_153 = vector.shape_cast %reduce_max3A_152 : vector<256xf32> to vector<256x1xf32>
      %eq3A_154 = vector.broadcast %broadcast_in_dim3A_153 : vector<256x1xf32> to vector<256x21xf32>
      %eq3A_155 = arith.cmpf oeq, %get3A_150, %eq3A_154 : vector<256x21xf32>
      %jit3A_156 = arith.constant 2147483647 : i32
      %broadcast_in_dim3A_157 = vector.broadcast %jit3A_156 : i32 to vector<256x21xi32>
      %select_n3A_158 = arith.select %eq3A_155, %iota3A_107, %broadcast_in_dim3A_157 : vector<256x21xi1>, vector<256x21xi32>
      %reduce_min3A_159 = arith.constant dense<2147483647> : vector<256xi32>
      %reduce_min3A_160 = vector.multi_reduction <minsi>, %select_n3A_158, %reduce_min3A_159 [1] : vector<256x21xi32> to vector<256xi32>
      %broadcast_in_dim3A_161 = vector.shape_cast %reduce_min3A_160 : vector<256xi32> to vector<256x1xi32>
      %eq3A_162 = vector.broadcast %broadcast_in_dim3A_161 : vector<256x1xi32> to vector<256x21xi32>
      %eq3A_163 = arith.cmpi eq, %iota3A_107, %eq3A_162 : vector<256x21xi32>
      %lt3A_164 = arith.cmpf olt, %broadcast_in_dim3A_122, %broadcast_in_dim3A_153 : vector<256x1xf32>
      %and3A = vector.broadcast %lt3A_164 : vector<256x1xi1> to vector<256x21xi1>
      %and3A_165 = arith.andi %eq3A_163, %and3A : vector<256x21xi1>
      %broadcast_in_dim3A_166 = vector.shape_cast %broadcast_in_dim3A_122 : vector<256x1xf32> to vector<256x1xf32>
      %broadcast_in_dim3A_167 = vector.broadcast %broadcast_in_dim3A_166 : vector<256x1xf32> to vector<256x21xf32>
      %select_n3A_168 = arith.select %and3A_165, %broadcast_in_dim3A_167, %get3A_150 : vector<256x21xi1>, vector<256x21xf32>
      %swap3A_169 = arith.constant 0 : index
      %swap3A_170 = arith.constant 0 : index
      %swap3A_171 = vector.load %arg5[%swap3A_169, %swap3A_170] : memref<256x21xf32, #tpu.memory_space<vmem>>, vector<256x21xf32>
      tpu.vector_store %arg5[%swap3A_169, %swap3A_170], %select_n3A_168 {strides = array<i32>} : memref<256x21xf32, #tpu.memory_space<vmem>>, vector<256x21xf32>,
      %get3A_172 = arith.constant 0 : index
      %get3A_173 = arith.constant 0 : index
      %get3A_174 = vector.load %arg6[%get3A_172, %get3A_173] : memref<256x21xf32, #tpu.memory_space<vmem>>, vector<256x21xf32>
      %broadcast_in_dim3A_175 = vector.shape_cast %broadcast_in_dim3A_147 : vector<256x1xf32> to vector<256x1xf32>
      %broadcast_in_dim3A_176 = vector.broadcast %broadcast_in_dim3A_175 : vector<256x1xf32> to vector<256x21xf32>
      %select_n3A_177 = arith.select %and3A_165, %broadcast_in_dim3A_176, %get3A_174 : vector<256x21xi1>, vector<256x21xf32>
      %swap3A_178 = arith.constant 0 : index
      %swap3A_179 = arith.constant 0 : index
      %swap3A_180 = vector.load %arg6[%swap3A_178, %swap3A_179] : memref<256x21xf32, #tpu.memory_space<vmem>>, vector<256x21xf32>
      tpu.vector_store %arg6[%swap3A_178, %swap3A_179], %select_n3A_177 {strides = array<i32>} : memref<256x21xf32, #tpu.memory_space<vmem>>, vector<256x21xf32>,
    }
    return
  }
  func.func @transform_0(%arg0: i32) -> (i32, i32) {
    %c0_i32 = arith.constant 0 : i32
    %c0_i32_0 = arith.constant 0 : i32
    %c0_i32_1 = arith.constant 0 : i32
    return %c0_i32, %c0_i32_0 : i32, i32
  }
  func.func @transform_1(%arg0: i32) -> (i32, i32) {
    %c0_i32 = arith.constant 0 : i32
    %c0_i32_0 = arith.constant 0 : i32
    %c0_i32_1 = arith.constant 0 : i32
    return %c0_i32, %c0_i32_0 : i32, i32
  }
  func.func @transform_2(%arg0: i32) -> (i32, i32) {
    %c0_i32 = arith.constant 0 : i32
    %c0_i32_0 = arith.constant 0 : i32
    return %arg0, %c0_i32 : i32, i32
  }
  func.func @transform_3(%arg0: i32) -> (i32, i32) {
    %c0_i32 = arith.constant 0 : i32
    %c0_i32_0 = arith.constant 0 : i32
    return %c0_i32, %arg0 : i32, i32
  }
  func.func @transform_4(%arg0: i32) -> (i32, i32) {
    %c0_i32 = arith.constant 0 : i32
    %c0_i32_0 = arith.constant 0 : i32
    %c0_i32_1 = arith.constant 0 : i32
    return %c0_i32, %c0_i32_0 : i32, i32
  }
  func.func @transform_5(%arg0: i32) -> (i32, i32) {
    %c0_i32 = arith.constant 0 : i32
    %c0_i32_0 = arith.constant 0 : i32
    %c0_i32_1 = arith.constant 0 : i32
    return %c0_i32, %c0_i32_0 : i32, i32
  }
}

module attributes {stable_mosaic.version = 14 : i64} {
  func.func @_head_body(%arg0: memref<256x21xf32, #tpu.memory_space<vmem>>, %arg1: memref<256x21xf32, #tpu.memory_space<vmem>>, %arg2: memref<256x21xf32, #tpu.memory_space<vmem>>, %arg3: memref<256x21xf32, #tpu.memory_space<vmem>>, %arg4: memref<256x1xf32, #tpu.memory_space<vmem>>, %arg5: memref<256x1xf32, #tpu.memory_space<vmem>>, %arg6: memref<256x1xf32, #tpu.memory_space<vmem>>, %arg7: memref<64x8xf32, #tpu.memory_space<vmem>>, %arg8: memref<1x64xf32, #tpu.memory_space<vmem>>, %arg9: memref<1x64xf32, #tpu.memory_space<vmem>>, %arg10: memref<1x1xf32, #tpu.memory_space<vmem>>, %arg11: memref<1x64xf32, #tpu.memory_space<vmem>>, %arg12: memref<1x1xf32, #tpu.memory_space<vmem>>, %arg13: memref<1x1xf32, #tpu.memory_space<vmem>>, %arg14: memref<256x1xf32, #tpu.memory_space<vmem>>) attributes {dimension_semantics = [], scalar_prefetch = 0 : i64, scratch_operands = 0 : i64, tpu.core_type = #tpu.core_type<tc>} {
    %iota3A = tpu.iota {dimensions = array<i32: 1>} : vector<256x21xi32>
    %get3A = arith.constant 0 : index
    %get3A_0 = arith.constant 0 : index
    %get3A_1 = vector.load %arg0[%get3A, %get3A_0] : memref<256x21xf32, #tpu.memory_space<vmem>>, vector<256x21xf32>
    %get3A_2 = arith.constant 0 : index
    %get3A_3 = arith.constant 0 : index
    %get3A_4 = vector.load %arg1[%get3A_2, %get3A_3] : memref<256x21xf32, #tpu.memory_space<vmem>>, vector<256x21xf32>
    %reduce_min3A = arith.constant dense<0x7F800000> : vector<256xf32>
    %reduce_min3A_5 = vector.multi_reduction <minimumf>, %get3A_1, %reduce_min3A [1] : vector<256x21xf32> to vector<256xf32>
    %broadcast_in_dim3A = vector.shape_cast %reduce_min3A_5 : vector<256xf32> to vector<256x1xf32>
    %eq3A = vector.broadcast %broadcast_in_dim3A : vector<256x1xf32> to vector<256x21xf32>
    %eq3A_6 = arith.cmpf oeq, %get3A_1, %eq3A : vector<256x21xf32>
    %jit3A = arith.constant 2147483647 : i32
    %broadcast_in_dim3A_7 = vector.broadcast %jit3A : i32 to vector<256x21xi32>
    %select_n3A = arith.select %eq3A_6, %iota3A, %broadcast_in_dim3A_7 : vector<256x21xi1>, vector<256x21xi32>
    %reduce_min3A_8 = arith.constant dense<2147483647> : vector<256xi32>
    %reduce_min3A_9 = vector.multi_reduction <minsi>, %select_n3A, %reduce_min3A_8 [1] : vector<256x21xi32> to vector<256xi32>
    %broadcast_in_dim3A_10 = vector.shape_cast %reduce_min3A_9 : vector<256xi32> to vector<256x1xi32>
    %ne3A = vector.broadcast %broadcast_in_dim3A_10 : vector<256x1xi32> to vector<256x21xi32>
    %ne3A_11 = arith.cmpi ne, %iota3A, %ne3A : vector<256x21xi32>
    %max3A = arith.constant 0.000000e+00 : f32
    %max3A_12 = vector.broadcast %max3A : f32 to vector<256x21xf32>
    %max3A_13 = arith.maximumf %get3A_1, %max3A_12 : vector<256x21xf32>
    %sqrt3A = math.sqrt %max3A_13 : vector<256x21xf32>
    %neg3A = arith.constant 0.000000e+00 : f32
    %neg3A_14 = vector.broadcast %neg3A : f32 to vector<256x21xf32>
    %neg3A_15 = arith.subf %neg3A_14, %sqrt3A : vector<256x21xf32>
    %exp3A = math.exp %neg3A_15 : vector<256x21xf32>
    %jit3A_16 = arith.constant 0.000000e+00 : f32
    %broadcast_in_dim3A_17 = vector.broadcast %jit3A_16 : f32 to vector<256x21xf32>
    %select_n3A_18 = arith.select %ne3A_11, %exp3A, %broadcast_in_dim3A_17 : vector<256x21xi1>, vector<256x21xf32>
    %jit3A_19 = arith.constant 0.000000e+00 : f32
    %broadcast_in_dim3A_20 = vector.broadcast %jit3A_19 : f32 to vector<256x21xf32>
    %select_n3A_21 = arith.select %ne3A_11, %get3A_4, %broadcast_in_dim3A_20 : vector<256x21xi1>, vector<256x21xf32>
    %reduce_sum3A = arith.constant dense<0.000000e+00> : vector<256xf32>
    %reduce_sum3A_22 = vector.multi_reduction <add>, %select_n3A_18, %reduce_sum3A [1] : vector<256x21xf32> to vector<256xf32>
    %broadcast_in_dim3A_23 = vector.shape_cast %reduce_sum3A_22 : vector<256xf32> to vector<256x1xf32>
    %mul3A = arith.mulf %select_n3A_21, %select_n3A_18 : vector<256x21xf32>
    %reduce_sum3A_24 = arith.constant dense<0.000000e+00> : vector<256xf32>
    %reduce_sum3A_25 = vector.multi_reduction <add>, %mul3A, %reduce_sum3A_24 [1] : vector<256x21xf32> to vector<256xf32>
    %broadcast_in_dim3A_26 = vector.shape_cast %reduce_sum3A_25 : vector<256xf32> to vector<256x1xf32>
    %div3A = arith.divf %broadcast_in_dim3A_26, %broadcast_in_dim3A_23 : vector<256x1xf32>
    %reduce_sum3A_27 = arith.constant dense<0.000000e+00> : vector<256xf32>
    %reduce_sum3A_28 = vector.multi_reduction <add>, %select_n3A_21, %reduce_sum3A_27 [1] : vector<256x21xf32> to vector<256xf32>
    %broadcast_in_dim3A_29 = vector.shape_cast %reduce_sum3A_28 : vector<256xf32> to vector<256x1xf32>
    %div3A_30 = arith.constant 2.000000e+01 : f32
    %div3A_31 = vector.broadcast %div3A_30 : f32 to vector<256x1xf32>
    %div3A_32 = arith.divf %broadcast_in_dim3A_29, %div3A_31 : vector<256x1xf32>
    %sub3A = vector.broadcast %div3A_32 : vector<256x1xf32> to vector<256x21xf32>
    %sub3A_33 = arith.subf %get3A_4, %sub3A : vector<256x21xf32>
    %integer_pow3A = arith.mulf %sub3A_33, %sub3A_33 : vector<256x21xf32>
    %jit3A_34 = arith.constant 0.000000e+00 : f32
    %broadcast_in_dim3A_35 = vector.broadcast %jit3A_34 : f32 to vector<256x21xf32>
    %select_n3A_36 = arith.select %ne3A_11, %integer_pow3A, %broadcast_in_dim3A_35 : vector<256x21xi1>, vector<256x21xf32>
    %reduce_sum3A_37 = arith.constant dense<0.000000e+00> : vector<256xf32>
    %reduce_sum3A_38 = vector.multi_reduction <add>, %select_n3A_36, %reduce_sum3A_37 [1] : vector<256x21xf32> to vector<256xf32>
    %broadcast_in_dim3A_39 = vector.shape_cast %reduce_sum3A_38 : vector<256xf32> to vector<256x1xf32>
    %div3A_40 = arith.constant 1.900000e+01 : f32
    %div3A_41 = vector.broadcast %div3A_40 : f32 to vector<256x1xf32>
    %div3A_42 = arith.divf %broadcast_in_dim3A_39, %div3A_41 : vector<256x1xf32>
    %sqrt3A_43 = math.sqrt %div3A_42 : vector<256x1xf32>
    %get3A_44 = arith.constant 0 : index
    %get3A_45 = arith.constant 0 : index
    %get3A_46 = vector.load %arg2[%get3A_44, %get3A_45] : memref<256x21xf32, #tpu.memory_space<vmem>>, vector<256x21xf32>
    %get3A_47 = arith.constant 0 : index
    %get3A_48 = arith.constant 0 : index
    %get3A_49 = vector.load %arg3[%get3A_47, %get3A_48] : memref<256x21xf32, #tpu.memory_space<vmem>>, vector<256x21xf32>
    %reduce_min3A_50 = arith.constant dense<0x7F800000> : vector<256xf32>
    %reduce_min3A_51 = vector.multi_reduction <minimumf>, %get3A_46, %reduce_min3A_50 [1] : vector<256x21xf32> to vector<256xf32>
    %broadcast_in_dim3A_52 = vector.shape_cast %reduce_min3A_51 : vector<256xf32> to vector<256x1xf32>
    %eq3A_53 = vector.broadcast %broadcast_in_dim3A_52 : vector<256x1xf32> to vector<256x21xf32>
    %eq3A_54 = arith.cmpf oeq, %get3A_46, %eq3A_53 : vector<256x21xf32>
    %jit3A_55 = arith.constant 2147483647 : i32
    %broadcast_in_dim3A_56 = vector.broadcast %jit3A_55 : i32 to vector<256x21xi32>
    %select_n3A_57 = arith.select %eq3A_54, %iota3A, %broadcast_in_dim3A_56 : vector<256x21xi1>, vector<256x21xi32>
    %reduce_min3A_58 = arith.constant dense<2147483647> : vector<256xi32>
    %reduce_min3A_59 = vector.multi_reduction <minsi>, %select_n3A_57, %reduce_min3A_58 [1] : vector<256x21xi32> to vector<256xi32>
    %broadcast_in_dim3A_60 = vector.shape_cast %reduce_min3A_59 : vector<256xi32> to vector<256x1xi32>
    %ne3A_61 = vector.broadcast %broadcast_in_dim3A_60 : vector<256x1xi32> to vector<256x21xi32>
    %ne3A_62 = arith.cmpi ne, %iota3A, %ne3A_61 : vector<256x21xi32>
    %max3A_63 = arith.constant 0.000000e+00 : f32
    %max3A_64 = vector.broadcast %max3A_63 : f32 to vector<256x21xf32>
    %max3A_65 = arith.maximumf %get3A_46, %max3A_64 : vector<256x21xf32>
    %sqrt3A_66 = math.sqrt %max3A_65 : vector<256x21xf32>
    %neg3A_67 = arith.constant 0.000000e+00 : f32
    %neg3A_68 = vector.broadcast %neg3A_67 : f32 to vector<256x21xf32>
    %neg3A_69 = arith.subf %neg3A_68, %sqrt3A_66 : vector<256x21xf32>
    %exp3A_70 = math.exp %neg3A_69 : vector<256x21xf32>
    %jit3A_71 = arith.constant 0.000000e+00 : f32
    %broadcast_in_dim3A_72 = vector.broadcast %jit3A_71 : f32 to vector<256x21xf32>
    %select_n3A_73 = arith.select %ne3A_62, %exp3A_70, %broadcast_in_dim3A_72 : vector<256x21xi1>, vector<256x21xf32>
    %jit3A_74 = arith.constant 0.000000e+00 : f32
    %broadcast_in_dim3A_75 = vector.broadcast %jit3A_74 : f32 to vector<256x21xf32>
    %select_n3A_76 = arith.select %ne3A_62, %get3A_49, %broadcast_in_dim3A_75 : vector<256x21xi1>, vector<256x21xf32>
    %reduce_sum3A_77 = arith.constant dense<0.000000e+00> : vector<256xf32>
    %reduce_sum3A_78 = vector.multi_reduction <add>, %select_n3A_73, %reduce_sum3A_77 [1] : vector<256x21xf32> to vector<256xf32>
    %broadcast_in_dim3A_79 = vector.shape_cast %reduce_sum3A_78 : vector<256xf32> to vector<256x1xf32>
    %mul3A_80 = arith.mulf %select_n3A_76, %select_n3A_73 : vector<256x21xf32>
    %reduce_sum3A_81 = arith.constant dense<0.000000e+00> : vector<256xf32>
    %reduce_sum3A_82 = vector.multi_reduction <add>, %mul3A_80, %reduce_sum3A_81 [1] : vector<256x21xf32> to vector<256xf32>
    %broadcast_in_dim3A_83 = vector.shape_cast %reduce_sum3A_82 : vector<256xf32> to vector<256x1xf32>
    %div3A_84 = arith.divf %broadcast_in_dim3A_83, %broadcast_in_dim3A_79 : vector<256x1xf32>
    %reduce_sum3A_85 = arith.constant dense<0.000000e+00> : vector<256xf32>
    %reduce_sum3A_86 = vector.multi_reduction <add>, %select_n3A_76, %reduce_sum3A_85 [1] : vector<256x21xf32> to vector<256xf32>
    %broadcast_in_dim3A_87 = vector.shape_cast %reduce_sum3A_86 : vector<256xf32> to vector<256x1xf32>
    %div3A_88 = arith.constant 2.000000e+01 : f32
    %div3A_89 = vector.broadcast %div3A_88 : f32 to vector<256x1xf32>
    %div3A_90 = arith.divf %broadcast_in_dim3A_87, %div3A_89 : vector<256x1xf32>
    %sub3A_91 = vector.broadcast %div3A_90 : vector<256x1xf32> to vector<256x21xf32>
    %sub3A_92 = arith.subf %get3A_49, %sub3A_91 : vector<256x21xf32>
    %integer_pow3A_93 = arith.mulf %sub3A_92, %sub3A_92 : vector<256x21xf32>
    %jit3A_94 = arith.constant 0.000000e+00 : f32
    %broadcast_in_dim3A_95 = vector.broadcast %jit3A_94 : f32 to vector<256x21xf32>
    %select_n3A_96 = arith.select %ne3A_62, %integer_pow3A_93, %broadcast_in_dim3A_95 : vector<256x21xi1>, vector<256x21xf32>
    %reduce_sum3A_97 = arith.constant dense<0.000000e+00> : vector<256xf32>
    %reduce_sum3A_98 = vector.multi_reduction <add>, %select_n3A_96, %reduce_sum3A_97 [1] : vector<256x21xf32> to vector<256xf32>
    %broadcast_in_dim3A_99 = vector.shape_cast %reduce_sum3A_98 : vector<256xf32> to vector<256x1xf32>
    %div3A_100 = arith.constant 1.900000e+01 : f32
    %div3A_101 = vector.broadcast %div3A_100 : f32 to vector<256x1xf32>
    %div3A_102 = arith.divf %broadcast_in_dim3A_99, %div3A_101 : vector<256x1xf32>
    %sqrt3A_103 = math.sqrt %div3A_102 : vector<256x1xf32>
    %get3A_104 = arith.constant 0 : index
    %get3A_105 = arith.constant 0 : index
    %get3A_106 = vector.load %arg4[%get3A_104, %get3A_105] : memref<256x1xf32, #tpu.memory_space<vmem>>, vector<256x1xf32>
    %get3A_107 = arith.constant 0 : index
    %get3A_108 = arith.constant 0 : index
    %get3A_109 = vector.load %arg5[%get3A_107, %get3A_108] : memref<256x1xf32, #tpu.memory_space<vmem>>, vector<256x1xf32>
    %concatenate3A = tpu.concatenate %div3A, %broadcast_in_dim3A_23, %sqrt3A_43, %div3A_84, %broadcast_in_dim3A_79, %sqrt3A_103, %get3A_106, %get3A_109 in 1 : vector<256x1xf32>, vector<256x1xf32>, vector<256x1xf32>, vector<256x1xf32>, vector<256x1xf32>, vector<256x1xf32>, vector<256x1xf32>, vector<256x1xf32> -> vector<256x8xf32>
    %get3A_110 = arith.constant 0 : index
    %get3A_111 = arith.constant 0 : index
    %get3A_112 = vector.load %arg7[%get3A_110, %get3A_111] : memref<64x8xf32, #tpu.memory_space<vmem>>, vector<64x8xf32>
    %dot_general3A = arith.constant dense<0.000000e+00> : vector<256x64xf32>
    %dot_general3A_113 = tpu.matmul %concatenate3A, %get3A_112, %dot_general3A {dimension_numbers = #tpu.dot_dimension_numbers<[1], [1], [0], [0], [0, 0, 1, 0], [], []>, transpose_lhs_hint = false} : vector<256x8xf32>, vector<64x8xf32>, vector<256x64xf32> -> vector<256x64xf32>
    %get3A_114 = arith.constant 0 : index
    %get3A_115 = arith.constant 0 : index
    %get3A_116 = vector.load %arg8[%get3A_114, %get3A_115] : memref<1x64xf32, #tpu.memory_space<vmem>>, vector<1x64xf32>
    %add3A = vector.broadcast %get3A_116 : vector<1x64xf32> to vector<256x64xf32>
    %add3A_117 = arith.addf %dot_general3A_113, %add3A : vector<256x64xf32>
    %max3A_118 = arith.constant 0.000000e+00 : f32
    %max3A_119 = vector.broadcast %max3A_118 : f32 to vector<256x64xf32>
    %max3A_120 = arith.maximumf %add3A_117, %max3A_119 : vector<256x64xf32>
    %get3A_121 = arith.constant 0 : index
    %get3A_122 = arith.constant 0 : index
    %get3A_123 = vector.load %arg9[%get3A_121, %get3A_122] : memref<1x64xf32, #tpu.memory_space<vmem>>, vector<1x64xf32>
    %mul3A_124 = vector.broadcast %get3A_123 : vector<1x64xf32> to vector<256x64xf32>
    %mul3A_125 = arith.mulf %max3A_120, %mul3A_124 : vector<256x64xf32>
    %reduce_sum3A_126 = arith.constant dense<0.000000e+00> : vector<256xf32>
    %reduce_sum3A_127 = vector.multi_reduction <add>, %mul3A_125, %reduce_sum3A_126 [1] : vector<256x64xf32> to vector<256xf32>
    %broadcast_in_dim3A_128 = vector.shape_cast %reduce_sum3A_127 : vector<256xf32> to vector<256x1xf32>
    %get3A_129 = arith.constant 0 : index
    %get3A_130 = arith.constant 0 : index
    %get3A_131 = vector.load %arg10[%get3A_129, %get3A_130] : memref<1x1xf32, #tpu.memory_space<vmem>>, vector<1x1xf32>
    %get3A_132 = vector.extract %get3A_131[0, 0] : f32 from vector<1x1xf32>
    %add3A_133 = vector.broadcast %get3A_132 : f32 to vector<256x1xf32>
    %add3A_134 = arith.addf %broadcast_in_dim3A_128, %add3A_133 : vector<256x1xf32>
    %get3A_135 = arith.constant 0 : index
    %get3A_136 = arith.constant 0 : index
    %get3A_137 = vector.load %arg11[%get3A_135, %get3A_136] : memref<1x64xf32, #tpu.memory_space<vmem>>, vector<1x64xf32>
    %mul3A_138 = vector.broadcast %get3A_137 : vector<1x64xf32> to vector<256x64xf32>
    %mul3A_139 = arith.mulf %max3A_120, %mul3A_138 : vector<256x64xf32>
    %reduce_sum3A_140 = arith.constant dense<0.000000e+00> : vector<256xf32>
    %reduce_sum3A_141 = vector.multi_reduction <add>, %mul3A_139, %reduce_sum3A_140 [1] : vector<256x64xf32> to vector<256xf32>
    %broadcast_in_dim3A_142 = vector.shape_cast %reduce_sum3A_141 : vector<256xf32> to vector<256x1xf32>
    %get3A_143 = arith.constant 0 : index
    %get3A_144 = arith.constant 0 : index
    %get3A_145 = vector.load %arg12[%get3A_143, %get3A_144] : memref<1x1xf32, #tpu.memory_space<vmem>>, vector<1x1xf32>
    %get3A_146 = vector.extract %get3A_145[0, 0] : f32 from vector<1x1xf32>
    %add3A_147 = vector.broadcast %get3A_146 : f32 to vector<256x1xf32>
    %add3A_148 = arith.addf %broadcast_in_dim3A_142, %add3A_147 : vector<256x1xf32>
    %get3A_149 = arith.constant 0 : index
    %get3A_150 = arith.constant 0 : index
    %get3A_151 = vector.load %arg6[%get3A_149, %get3A_150] : memref<256x1xf32, #tpu.memory_space<vmem>>, vector<256x1xf32>
    %sub3A_152 = arith.subf %get3A_151, %add3A_134 : vector<256x1xf32>
    %integer_pow3A_153 = arith.mulf %sub3A_152, %sub3A_152 : vector<256x1xf32>
    %exp3A_154 = math.exp %add3A_148 : vector<256x1xf32>
    %div3A_155 = arith.divf %integer_pow3A_153, %exp3A_154 : vector<256x1xf32>
    %add3A_156 = arith.addf %div3A_155, %add3A_148 : vector<256x1xf32>
    %reduce_sum3A_157 = arith.constant dense<0.000000e+00> : vector<1xf32>
    %reduce_sum3A_158 = vector.multi_reduction <add>, %add3A_156, %reduce_sum3A_157 [0] : vector<256x1xf32> to vector<1xf32>
    %broadcast_in_dim3A_159 = vector.shape_cast %reduce_sum3A_158 : vector<1xf32> to vector<1x1xf32>
    %div3A_160 = arith.constant 2.560000e+02 : f32
    %div3A_161 = vector.broadcast %div3A_160 : f32 to vector<1x1xf32>
    %div3A_162 = arith.divf %broadcast_in_dim3A_159, %div3A_161 : vector<1x1xf32>
    %swap3A = arith.constant 0 : index
    %swap3A_163 = arith.constant 0 : index
    %swap3A_164 = vector.load %arg13[%swap3A, %swap3A_163] : memref<1x1xf32, #tpu.memory_space<vmem>>, vector<1x1xf32>
    tpu.vector_store %arg13[%swap3A, %swap3A_163], %div3A_162 {strides = array<i32>} : memref<1x1xf32, #tpu.memory_space<vmem>>, vector<1x1xf32>,
    %swap3A_165 = arith.constant 0 : index
    %swap3A_166 = arith.constant 0 : index
    %swap3A_167 = vector.load %arg14[%swap3A_165, %swap3A_166] : memref<256x1xf32, #tpu.memory_space<vmem>>, vector<256x1xf32>
    tpu.vector_store %arg14[%swap3A_165, %swap3A_166], %add3A_134 {strides = array<i32>} : memref<256x1xf32, #tpu.memory_space<vmem>>, vector<256x1xf32>,
    return
  }
}

</mosaic_0001>

<sc_bundles>
// kernel: kernel.7.cloned.1.call-start
scs
__scs_entry_jumppad:
0x0: {  	(pc) =	sbr.rel $0x88, $3  }
0x1: {  	(tag) =	ssettag $0x0;
	lr =	simm.s32 $0x1  }
0x2: {  	[smem:$0x3F7E] =	sst lr;
	_ =	strace $0xD0000000  }
0x3: {  	_ = 	snop  }
0x4: {  	_ = 	snop  }
0x5: {  	_ = 	snop  }
0x6: {  	_ = 	snop  }
0x7: {  	_ = 	snop  }
__scs_overlays_trampoline_lowered:
0x8: {  	[smem:$0x3F8D] =	sst s0  }
0x9: {  	[smem:$0x3F8E] =	sst s1  }
0xa: {  	[smem:$0x3F8F] =	sst s2  }
0xb: {  	[smem:$0x3F90] =	sst s3  }
0xc: {  	[smem:$0x3F91] =	sst s4  }
0xd: {  	[smem:$0x3F92] =	sst s5  }
0xe: {  	[smem:$0x3F93] =	sst s6  }
0xf: {  	[smem:$0x3F94] =	sst s7  }
0x10: {  	[smem:$0x3F95] =	sst s8  }
0x11: {  	[smem:$0x3F96] =	sst s9;
	s0 =	simm.s32 @!p0 $0x0  }
0x12: {  	s1 =	sld [smem:$0x3F7C];
	s0 =	simm.s32 @p0 $0x1  }
0x13: {  	[smem:$0x3F97] =	sst s0;
	s0 =	simm.s32 @!p1 $0x0  }
0x14: {  	s2 =	sld [smem:$0x3F7B];
	s0 =	simm.s32 @p1 $0x1  }
0x15: {  	[smem:$0x3F98] =	sst s0;
	s0 =	simm.s32 @!p2 $0x0  }
0x16: {  	s3 =	sld [smem:$0x3FDB];
	s0 =	simm.s32 @p2 $0x1  }
0x17: {  	s4 =	simm.s32 $0x1BF5;
	[smem:$0x3F9A] =	sst s0  }
0x18: {  	s0 =	sld [smem:$0x3F7D];
	_ =	swait.ge [sflag:s4], $0x0  }
0x19: {  	s7 =	sld [smem:$0x3F7E]  }
0x1a: {  	s8 =	sadd.s32 $0xFFFFE003, lr  }
0x1b: {  	s9 =	sadd.s32 $0xFFFFFEF7, lr;
	s5 =	simm.s32 $0xFFFFFFFF;
	p2 =	slt.u32 s8, $0xFFFFF086  }
0x1c: {  	p1 =	slt.u32 s9, $0xF7A;
	s5 =	simm.s32 @!p2 $0x0  }
0x1d: {  	s5 =	simm.s32 @p1 $0x1;
	p0 =	seq.s32 s7, s2  }
0x1e: {  	s7 =	smul.u32 @!p0 $0xF7A, s2;
	p2 =	seq.s32 @!p0 s5, $0x0  }
0x1f: {  	s9 =	smul.u32 $0xF7A, s1;
	s8 =	simm.s32 @!p0 $0x1BF5;
	p2 =	por !p2, p0  }
0x20: {  	[sflag:s8] =	ssyncset.s32 @!p0 $0xFFFFF086;
	s6 =	sadd.s32 @!p0 s3, s7;
	s7 =	simm.s32 @!p0 $0x108  }
0x21: {  	s3 =	sadd.s32 s3, s9;
	s6 =	sadd.s32 @!p0 $0x88, s6;
	s7 =	simm.s32 @p2 $0x1082  }
0x22: {  	[simem:s7], [sflag:s8] =	dma.local @!p0 [hbm:s6], $0xF7A  }
0x23: {  	s9 =	sor.u32 $0xD0000000, s2;
	s6 =	simm.s32 $0x108;
	_ =	swait.ge @!p0 [sflag:s8], $0x0  }
0x24: {  	s3 =	sadd.s32 $0x88, s3;
	s6 =	simm.s32 @!p1 $0x1082;
	[sflag:s4] =	ssyncset.s32 $0xFFFFF086  }
0x25: {  	[simem:s6], [sflag:s4] =	dma.local [hbm:s3], $0xF7A  }
0x26: {  	[smem:$0x3F7E] =	sst s1;
	(tag) =	ssettag s2;
	_ =	strace s9  }
0x27: {  	s1 =	sld [smem:$0x3F8E]  }
0x28: {  	s2 =	sld [smem:$0x3F8F]  }
0x29: {  	s4 =	sld [smem:$0x3F91]  }
0x2a: {  	p0 =	seq.s32 s5, $0x0;
	s5 =	sld [smem:$0x3F92]  }
0x2b: {  	s6 =	sld [smem:$0x3F93]  }
0x2c: {  	s7 =	sld [smem:$0x3F94]  }
0x2d: {  	s3 =	simm.s32 $0x108;
	s8 =	sld [smem:$0x3F95]  }
0x2e: {  	s3 =	simm.s32 @!p0 $0x1082;
	s9 =	sld [smem:$0x3F96]  }
0x2f: {  	lr =	sadd.s32 s0, s3;
	s0 =	sld [smem:$0x3F8D]  }
0x30: {  	s3 =	sld [smem:$0x3F90]  }
0x31: {  	[smem:$0x3F99] =	sst s10  }
0x32: {  	s10 =	sld [smem:$0x3F97];
	_ =	sdelay $0x3  }
0x33: {  	p0 =	seq.s32 s10, $0x1;
	s10 =	sld [smem:$0x3F99];
	_ =	sdelay $0x3  }
0x34: {  	[smem:$0x3F99] =	sst s10  }
0x35: {  	s10 =	sld [smem:$0x3F98];
	_ =	sdelay $0x3  }
0x36: {  	p1 =	seq.s32 s10, $0x1;
	s10 =	sld [smem:$0x3F99];
	_ =	sdelay $0x3  }
0x37: {  	[smem:$0x3F99] =	sst s10  }
0x38: {  	s10 =	sld [smem:$0x3F9A]  }
0x39: {  	_ = 	snop;
	(pc) =	sbr.ind lr, $3  }
0x3a: {  	_ = 	snop  }
0x3b: {  	_ = 	snop  }
0x3c: {  	p2 =	seq.s32 s10, $0x1;
	s10 =	sld [smem:$0x3F99]  }
0x3d: {  	_ =	shalt  }
0x3e: {  	_ =	shalt  }
0x3f: {  	_ =	shalt  }
0x40: {  	_ =	shalt  }
0x41: {  	_ =	shalt  }
0x42: {  	_ =	shalt  }
0x43: {  	_ =	shalt  }
0x44: {  	_ =	shalt  }
0x45: {  	_ =	shalt  }
0x46: {  	_ =	shalt  }
0x47: {  	_ =	shalt  }
0x48: {  	_ =	shalt  }
0x49: {  	_ =	shalt  }
0x4a: {  	_ =	shalt  }
0x4b: {  	_ =	shalt  }
0x4c: {  	_ =	shalt  }
0x4d: {  	_ =	shalt  }
0x4e: {  	_ =	shalt  }
0x4f: {  	_ =	shalt  }
0x50: {  	_ =	shalt  }
0x51: {  	_ =	shalt  }
0x52: {  	_ =	shalt  }
0x53: {  	_ =	shalt  }
0x54: {  	_ =	shalt  }
0x55: {  	_ =	shalt  }
0x56: {  	_ =	shalt  }
0x57: {  	_ =	shalt  }
0x58: {  	_ =	shalt  }
0x59: {  	_ =	shalt  }
0x5a: {  	_ =	shalt  }
0x5b: {  	_ =	shalt  }
0x5c: {  	_ =	shalt  }
0x5d: {  	_ =	shalt  }
0x5e: {  	_ =	shalt  }
0x5f: {  	_ =	shalt  }
0x60: {  	_ =	shalt  }
0x61: {  	_ =	shalt  }
0x62: {  	_ =	shalt  }
0x63: {  	_ =	shalt  }
0x64: {  	_ =	shalt  }
0x65: {  	_ =	shalt  }
0x66: {  	_ =	shalt  }
0x67: {  	_ =	shalt  }
0x68: {  	_ =	shalt  }
0x69: {  	_ =	shalt  }
0x6a: {  	_ =	shalt  }
0x6b: {  	_ =	shalt  }
0x6c: {  	_ =	shalt  }
0x6d: {  	_ =	shalt  }
0x6e: {  	_ =	shalt  }
0x6f: {  	_ =	shalt  }
0x70: {  	_ =	shalt  }
0x71: {  	_ =	shalt  }
0x72: {  	_ =	shalt  }
0x73: {  	_ =	shalt  }
0x74: {  	_ =	shalt  }
0x75: {  	_ =	shalt  }
0x76: {  	_ =	shalt  }
0x77: {  	_ =	shalt  }
0x78: {  	_ =	shalt  }
0x79: {  	_ =	shalt  }
0x7a: {  	_ =	shalt  }
0x7b: {  	_ =	shalt  }
0x7c: {  	_ =	shalt  }
0x7d: {  	_ =	shalt  }
0x7e: {  	_ =	shalt  }
0x7f: {  	_ =	shalt  }
0x80: {  	_ =	shalt  }
0x81: {  	_ =	shalt  }
0x82: {  	_ =	shalt  }
0x83: {  	_ =	shalt  }
0x84: {  	_ =	shalt  }
0x85: {  	_ =	shalt  }
0x86: {  	_ =	shalt  }
0x87: {  	_ =	shalt  }
.Lfunc_end0:
.L_simem_size_0:
called_computation_lowered:
.L_overlay_start_0:
0x88: {  	s2 =	sld [smem:$0x3FD9]  }
0x89: {  	s3 =	sld [smem:$0x3FFE];
	_ =	sdelay $0x1  }
0x8a: {  	s1 =	srdreg.scid  }
0x8b: {  	s0 =	sand.u32 $0x1, s1  }
0x8c: {  	s14 =	sshll.u32 s0, $0xA;
	s2 =	sadd.s32 s3, s2  }
0x8d: {  	s2 =	sadd.s32 s2, s14  }
0x8e: {  	[smem:$0x3FA5] =	sst s2  }
0x8f: {  	_ = 	snop  }
0x90: {  	s2 =	sld [smem:$0x3FD0];
	_ =	sdelay $0x2  }
0x91: {  	s15 =	simm.s32 $0xA;
	s4 =	simm.s32 $0x10  }
0x92: {  	[smem:s4], [sflag:s15] =	dma.local [hbm:s2], $0x1  }
0x93: {  	_ =	swait.eq [sflag:s15], $0x1  }
0x94: {  	[sflag:s15] =	ssyncset.done $0x0  }
0x95: {  	[sflag:s15] =	ssyncadd.s32 $0xFFFFFFFF  }
0x96: {  	s16 =	sld [smem:$0x12];
	(tm) =	ssettm $0x1  }
0x97: {  	s17 =	sld [smem:$0x3FFB];
	_ =	sdelay $0x3  }
0x98: {  	_ =	strace s17  }
0x99: {  	s3 =	sld [smem:$0x3FFC];
	_ =	sdelay $0x3  }
0x9a: {  	_ =	strace s3  }
0x9b: {  	s3 =	sld [smem:$0x3FFD];
	_ =	sdelay $0x3  }
0x9c: {  	_ =	strace s3  }
0x9d: {  	_ =	strace $0x8FFFFFFF  }
0x9e: {  	s18 =	sld [smem:$0x3FDB];
	_ =	sdelay $0x1  }
0x9f: {  	s19 =	simm.s32 $_scs_section_size  }
0xa0: {  	s5 =	simm.s32 $_size__tile_overlayer_lowered;
	s6 =	simm.s32 $_tile_overlayer_lowered  }
0xa1: {  	s22 =	simm.s32 $0x1BFF;
	s21 =	sshll.u32 s6, $0x1;
	s3 =	sadd.s32 s19, s18  }
0xa2: {  	s7 =	simm.s32 $0x0;
	s20 =	sshll.u32 s5, $0x1;
	s5 =	sadd.s32 s21, s3  }
0xa3: {  	[timem:s7], [sflag:s22] =	dma.local [hbm:s5], s20  }
0xa4: {  	_ =	swait.ge [sflag:s22], s20  }
0xa5: {  	s4 =	ssub.s32 $0x0, s20;
	[sflag:s22] =	ssyncset.done $0x0  }
0xa6: {  	[sflag:s22] =	ssyncadd.s32 s4;
	_ =	sdelay $0x1  }
0xa7: {  	s23 =	simm.s32 $0x1B8B  }
0xa8: {  	_ =	swait.ge [sflag:s23], $0x1  }
0xa9: {  	[sflag:s23] =	ssyncset.done $0x0  }
0xaa: {  	s25 =	simm.s32 $0x1B8E;
	s24 =	sld [smem:$0x3FFE];
	[sflag:s23] =	ssyncadd.s32 $0xFFFFFFFF  }
0xab: {  	s26 =	simm.s32 $execute0_lowered;
	[smem:$0x3FD2] =	sst s25  }
0xac: {  	s5 =	sshll.u32 s26, $0x1;
	_ =	strace $0x80000046;
	[dreg:$0x1] =	wrdreg $0xFFFFFFFF  }
0xad: {  	s28 =	simm.s32 $_size_execute0_lowered;
	s3 =	sadd.s32 s3, s5;
	[dreg:$0x0] =	wrdreg $0x0  }
0xae: {  	s5 =	sshll.u32 s28, $0x1;
	[dreg:$0x2] =	wrdreg s3  }
0xaf: {  	[dreg:$0x3] =	wrdreg s5  }
0xb0: {  	[dreg:$0x4] =	wrdreg $0xC0  }
0xb1: {  	_ =	task [dreg:s7], $0x5FFFF  }
0xb2: {  	[dreg:$0x1] =	wrdreg $0xFFFFFFFF  }
0xb3: {  	[dreg:$0x0] =	wrdreg $0x60  }
0xb4: {  	[dreg:$0x2] =	wrdreg s24  }
0xb5: {  	[dreg:$0x3] =	wrdreg s16  }
0xb6: {  	[dreg:$0x4] =	wrdreg $0x9  }
0xb7: {  	_ =	task.clear_ibuf [dreg:s7], $0x5FFFF;
	_ =	strace $0x90000046  }
0xb8: {  	s29 =	simm.s32 $0x9;
	_ =	strace $0x80000048  }
0xb9: {  	_ =	swait.ge [sflag:s29], $0x1  }
0xba: {  	[sflag:s29] =	ssyncadd.s32 $0xFFFFFFFF  }
0xbb: {  	_ =	strace $0x90000048  }
0xbc: {  	_ =	sfence  }
0xbd: {  	s30 =	sld [smem:$0x0];
	_ =	sdelay $0x2  }
0xbe: {  	s31 =	sshll.u32 s1, $0xD;
	s1 =	sshrl.u32 s1, $0x2  }
0xbf: {  	s3 =	sand.u32 $0x4000, s31;
	s1 =	sadd.s32 s1, s30  }
0xc0: {  	s0 =	sor.u32 s3, s0;
	s1 =	sshll.u32 s1, $0x11  }
0xc1: {  	s0 =	sor.u32 s1, s0  }
0xc2: {  	s0 =	sadd.s32 $0x8F2B, s0  }
0xc3: {  	[sflag:s0] =	ssyncadd.remote.s32 $0x1  }
0xc4: {  	_ =	sfence.sel $0xFFFF  }
0xc5: {  	[dreg:$0x0] =	wrdreg $0xFFFFFFFF;
	(pc) =	sbr.abs _section_cstart, $3  }
0xc6: {  	[dreg:$0x1] =	wrdreg $0xFFFFFFFF  }
0xc7: {  	_ =	task.clear_ibuf [dreg:s7], $0x2FFFF;
	_ =	strace $0x9FFFFFFF  }
0xc8: {  	(tm) =	ssettm $0x7FFFFFFF  }
0xc9: {  	_ =	shalt  }
tec
execute0_lowered:
.L_overlay_start_1:
0x0: {  	(tag) =	ssettag $0x1  }
0x1: {  	s1 =	srdreg.scid  }
0x2: {  	s0 =	stileid.u32;
	s12 =	sand.u32 $0x1, s1  }
0x3: {  	s11 =	rddreg [dreg:$0x0];
	s30 =	sshll.u32 s0, $0x4;
	s2 =	sshll.u32 s12, $0x3  }
0x4: {  	s10 =	rddreg [dreg:$0x1];
	s9 =	sor.u32 s2, s30  }
0x5: {  	s1 =	rddreg [dreg:$0x2];
	s2 =	simm.s32 $0x0;
	s13 =	sshrl.u32 s9, $0x3  }
0x6: {  	[smem:$0x7FF] =	sst s2;
	s3 =	sadd.s32 s13, s11  }
0x7: {  	_ =	strace $0x80000047;
	s4 =	sadd.s32 $0x3D6800, s3;
	s3 =	simm.s32 $0x2  }
0x8: {  	[tilespmem:s2], [sflag:$0x2] =	stream.linear.gather [hbm4b:s4+s2], $0x8, $0x38;
	[tilespmem:$0x480] =	vst v63  }
0x9: {  	_ =	swait.ge [sflag:s3], $0x8  }
0xa: {  	s6 =	simm.s32 $0x8;
	s7 =	simm.s32 $0x80;
	[sflag:s3] =	ssyncset.done $0x0  }
0xb: {  	s8 =	simm.s32 $0x1;
	s5 =	sadd.s32 $0x18C600, s11;
	[sflag:s3] =	ssyncadd.s32 $0xFFFFFFF8  }
0xc: {  	[tilespmem:s7], [sflag:$0x1] =	stream.indirect.gather [hbm4b:s5+s6], $0x80, s2, s6, $0xb8;
	[tilespmem:$0x480] =	vst v63  }
0xd: {  	s9 =	sshll.u32 s9, $0x4;
	_ =	swait.ge [sflag:s8], $0x400  }
0xe: {  	s14 =	sadd.s32 s9, s11;
	[sflag:s8] =	ssyncset.done $0x0  }
0xf: {  	s9 =	sadd.s32 $0x3D7A00, s14;
	[sflag:s8] =	ssyncadd.s32 $0xFFFFFC00  }
0x10: {  	[hbm4b:s9+s2] =	stream.linear.scatter [tilespmem:s7], [sflag:$0x2], $0x400, $0x38;
	[tilespmem:$0x480] =	vst v63  }
0x11: {  	_ =	swait.ge [sflag:s3], $0x400  }
0x12: {  	[sflag:s3] =	ssyncset.done $0x0  }
0x13: {  	s12 =	ssub.s32 $0x2, s12;
	s10 =	sadd.s32 s10, s13;
	[sflag:s3] =	ssyncadd.s32 $0xFFFFFC00  }
0x14: {  	[tilespmem:s2], [sflag:$0x2] =	stream.linear.gather [hbm4b:s10+s2], $0x8, $0x38;
	[tilespmem:$0x480] =	vst v63  }
0x15: {  	s31 =	sshrl.u32 s12, $0x1;
	_ =	swait.ge [sflag:s3], $0x8  }
0x16: {  	s13 =	ssub.s32 s12, s31;
	[sflag:s3] =	ssyncset.done $0x0  }
0x17: {  	s11 =	sadd.s32 $0x374C00, s11;
	s13 =	smax.u32 s13, $0x1;
	[sflag:s3] =	ssyncadd.s32 $0xFFFFFFF8  }
0x18: {  	[tilespmem:s7], [sflag:$0x1] =	stream.indirect.gather [hbm4b:s11+s6], $0x80, s2, s6, $0xb8;
	[tilespmem:$0x480] =	vst v63  }
0x19: {  	p0 =	sne.s32 s13, $0x1;
	_ =	swait.ge [sflag:s8], $0x400  }
.Ltmp0:
0x1a: {  	[sflag:s8] =	ssyncset.done $0x0;
	(pc) =	sbr.rel @!p0 .LBB2_2-.Ltmp0, $4  }
0x1b: {  	s12 =	sadd.s32 $0x3D6A00, s14;
	[sflag:s8] =	ssyncadd.s32 $0xFFFFFC00  }
0x1c: {  	[hbm4b:s12+s2] =	stream.linear.scatter [tilespmem:s7], [sflag:$0x2], $0x400, $0x38;
	[tilespmem:$0x480] =	vst v63  }
0x1d: {  	_ =	swait.ge [sflag:s3], $0x400  }
0x1e: {  	s13 =	sadd.s32 $0xFFFFFFFF, s13;
	[sflag:s3] =	ssyncset.done $0x0  }
.LBB2_1:
0x1f: {  	p0 =	sne.s32 s13, $0x1;
	s13 =	sadd.s32 $0xFFFFFFFF, s13;
	[sflag:s3] =	ssyncadd.s32 $0xFFFFFC00  }
0x20: {  	[tilespmem:s2], [sflag:$0x2] =	stream.linear.gather [hbm4b:s4+s2], $0x8, $0x38;
	[tilespmem:$0x480] =	vst v63  }
0x21: {  	_ =	swait.ge [sflag:s3], $0x8  }
0x22: {  	[sflag:s3] =	ssyncset.done $0x0  }
0x23: {  	[sflag:s3] =	ssyncadd.s32 $0xFFFFFFF8  }
0x24: {  	[tilespmem:s7], [sflag:$0x1] =	stream.indirect.gather [hbm4b:s5+s6], $0x80, s2, s6, $0xb8;
	[tilespmem:$0x480] =	vst v63  }
0x25: {  	_ =	swait.ge [sflag:s8], $0x400  }
0x26: {  	[sflag:s8] =	ssyncset.done $0x0  }
0x27: {  	[sflag:s8] =	ssyncadd.s32 $0xFFFFFC00  }
0x28: {  	[hbm4b:s9+s2] =	stream.linear.scatter [tilespmem:s7], [sflag:$0x2], $0x400, $0x38;
	[tilespmem:$0x480] =	vst v63  }
0x29: {  	_ =	swait.ge [sflag:s3], $0x400  }
0x2a: {  	[sflag:s3] =	ssyncset.done $0x0  }
0x2b: {  	[sflag:s3] =	ssyncadd.s32 $0xFFFFFC00  }
0x2c: {  	[tilespmem:s2], [sflag:$0x2] =	stream.linear.gather [hbm4b:s10+s2], $0x8, $0x38;
	[tilespmem:$0x480] =	vst v63  }
0x2d: {  	_ =	swait.ge [sflag:s3], $0x8  }
0x2e: {  	[sflag:s3] =	ssyncset.done $0x0  }
0x2f: {  	[sflag:s3] =	ssyncadd.s32 $0xFFFFFFF8  }
0x30: {  	[tilespmem:s7], [sflag:$0x1] =	stream.indirect.gather [hbm4b:s11+s6], $0x80, s2, s6, $0xb8;
	[tilespmem:$0x480] =	vst v63  }
0x31: {  	_ =	swait.ge [sflag:s8], $0x400  }
.Ltmp1:
0x32: {  	[sflag:s8] =	ssyncset.done $0x0;
	(pc) =	sbr.rel @p0 .LBB2_1-.Ltmp1, $4  }
0x33: {  	[sflag:s8] =	ssyncadd.s32 $0xFFFFFC00  }
0x34: {  	[hbm4b:s12+s2] =	stream.linear.scatter [tilespmem:s7], [sflag:$0x2], $0x400, $0x38;
	[tilespmem:$0x480] =	vst v63  }
0x35: {  	_ =	swait.ge [sflag:s3], $0x400  }
0x36: {  	[sflag:s3] =	ssyncset.done $0x0  }
.LBB2_2:
0x37: {  	[sflag:s3] =	ssyncadd.s32 $0xFFFFFC00  }
0x38: {  	_ =	sfence.sel $0x180000  }
0x39: {  	[bflag:$0x0] =	sbarrier.arrive $0xFFFF  }
0x3a: {  	p0 =	sne.s32 s0, $0x0;
	_ =	strace $0x90000047  }
0x3b: {  	s0 =	sadd.s32 @!p0 $0x100000, s1;
	[bflag:$0x2] =	sbarrier.arrive $0xFFFF  }
0x3c: {  	[sflag:s0] =	ssyncadd.tile.s32 @!p0 $0x1;
	_ =	shalt  }
.Lfunc_end2:
_tile_overlayer_lowered:
.L_overlay_start_2:
0x3d: {  	(tag) =	ssettag $0x2  }
0x3e: {  	s0 =	rddreg [dreg:$0x0];
	s2 =	stileid.u32  }
0x3f: {  	s1 =	rddreg [dreg:$0x1];
	p0 =	sne.s32 s2, $0x0  }
0x40: {  	s3 =	rddreg [dreg:$0x2];
	[bflag:$0x3] =	sbarrier.arrive $0xFFFF;
	s2 =	simm.s32 @!p0 $0x1C02  }
0x41: {  	[timem:s3], [sflag:s2] =	dma.local @!p0 [hbm:s0], s1  }
0x42: {  	s0 =	simm.s32 @!p0 $0x2  }
0x43: {  	_ =	swait.ge @!p0 [sflag:s0], s1  }
0x44: {  	s1 =	ssub.s32 @!p0 $0x0, s1;
	[sflag:s0] =	ssyncset.done @!p0 $0x0  }
0x45: {  	[sflag:s0] =	ssyncadd.s32 @!p0 s1  }
0x46: {  	[bflag:$0x3] =	sbarrier.arrive $0xFFFF  }
0x47: {  	_ =	shalt  }

</sc_bundles>
